<compile_context>
chip_gen: v7x
topology: tpu7x:2x2x1
jax: 0.10.2.dev20260603
libtpu: 0.0.44.dev20260713+nightly
codegen_flags: <defaults>
</compile_context>

<pallas_src>
import functools

import jax
import jax.numpy as jnp
from jax import lax
from jax.experimental import pallas as pl
from jax.experimental.pallas import tpu as pltpu
from jax.experimental.pallas import tpu_sc as plsc

N = 10000
E = 320000
F = 128
C = 40

N_PAD = 10240
NW = 32
CHUNK = 128
CH = 80
EPW = CH * CHUNK
E_PAD = NW * EPW
ROWS_PT = N_PAD // 16

_BLK = 512
_GRID = N_PAD // _BLK



def _sc_mesh():
    return plsc.VectorSubcoreMesh(core_axis_name="c", subcore_axis_name="s")


def _deg_body(dst_hbm, ones_hbm, zeros_hbm, out_hbm, shared, idx_v, ones_v):
    cid = lax.axis_index("c")
    sid = lax.axis_index("s")
    wid = cid * 16 + sid
    r0 = sid * ROWS_PT
    pltpu.sync_copy(zeros_hbm.at[pl.ds(r0, ROWS_PT)], shared.at[pl.ds(r0, ROWS_PT)])
    pltpu.sync_copy(dst_hbm.at[pl.ds(wid * CH, CH)], idx_v)
    pltpu.sync_copy(ones_hbm, ones_v)
    plsc.subcore_barrier()

    @pl.loop(0, CH)
    def _(j):
        pltpu.sync_copy(ones_v, shared.at[idx_v.at[j]], add=True)

    plsc.subcore_barrier()
    pltpu.sync_copy(shared.at[pl.ds(r0, ROWS_PT)],
                    out_hbm.at[cid, pl.ds(r0, ROWS_PT)])


def _sc_degree(dst2d, ones128, zeros128):
    return pl.kernel(
        _deg_body,
        out_type=jax.ShapeDtypeStruct((2, N_PAD, F), jnp.float32),
        mesh=_sc_mesh(),
        scratch_types=[
            pltpu.VMEM_SHARED((N_PAD, F), jnp.float32),
            pltpu.VMEM((CH, CHUNK), jnp.int32),
            pltpu.VMEM((CHUNK, F), jnp.float32),
        ],
    )(dst2d, ones128, zeros128)


def _agg_body(y_hbm, src_hbm, dst_hbm, zeros_hbm, out_hbm,
              shared, sidx, didx, rows, sem):
    cid = lax.axis_index("c")
    sid = lax.axis_index("s")
    wid = cid * 16 + sid
    r0 = sid * ROWS_PT
    pltpu.sync_copy(zeros_hbm.at[pl.ds(r0, ROWS_PT)], shared.at[pl.ds(r0, ROWS_PT)])
    pltpu.sync_copy(src_hbm.at[pl.ds(wid * CH, CH)], sidx)
    pltpu.sync_copy(dst_hbm.at[pl.ds(wid * CH, CH)], didx)
    plsc.subcore_barrier()

    @pl.loop(0, CH)
    def _(j):
        pltpu.async_copy(y_hbm.at[sidx.at[j]], rows, sem).wait()
        pltpu.sync_copy(rows, shared.at[didx.at[j]], add=True)

    plsc.subcore_barrier()
    pltpu.sync_copy(shared.at[pl.ds(r0, ROWS_PT)],
                    out_hbm.at[cid, pl.ds(r0, ROWS_PT)])


def _sc_agg(y, src2d, dst2d, zeros128):
    return pl.kernel(
        _agg_body,
        out_type=jax.ShapeDtypeStruct((2, N_PAD, F), jnp.float32),
        mesh=_sc_mesh(),
        scratch_types=[
            pltpu.VMEM_SHARED((N_PAD, F), jnp.float32),
            pltpu.VMEM((CH, CHUNK), jnp.int32),
            pltpu.VMEM((CH, CHUNK), jnp.int32),
            pltpu.VMEM((CHUNK, F), jnp.float32),
            pltpu.SemaphoreType.DMA,
        ],
    )(y, src2d, dst2d, zeros128)



def _prep_body(deg_ref, x_ref, dis_ref, y_ref):
    deg = deg_ref[0, :, 0:1] + deg_ref[1, :, 0:1] + 1.0
    dis = lax.rsqrt(deg)
    dis_ref[...] = jnp.broadcast_to(dis, (_BLK, 8))
    y_ref[...] = x_ref[...] * dis


def _tc_prep(deg_tbl, x_pad):
    return pl.pallas_call(
        _prep_body,
        grid=(_GRID,),
        in_specs=[
            pl.BlockSpec((2, _BLK, F), lambda i: (0, i, 0)),
            pl.BlockSpec((_BLK, F), lambda i: (i, 0)),
        ],
        out_specs=[
            pl.BlockSpec((_BLK, 8), lambda i: (i, 0)),
            pl.BlockSpec((_BLK, F), lambda i: (i, 0)),
        ],
        out_shape=[
            jax.ShapeDtypeStruct((N_PAD, 8), jnp.float32),
            jax.ShapeDtypeStruct((N_PAD, F), jnp.float32),
        ],
    )(deg_tbl, x_pad)


def _layer_body(agg_ref, y_ref, dis_ref, w_ref, sc_ref, sh_ref, out_ref):
    dis = dis_ref[:, 0:1]
    z = (agg_ref[0] + agg_ref[1] + y_ref[...]) * dis
    h = jnp.dot(z, w_ref[...], preferred_element_type=jnp.float32)
    h = h * sc_ref[...] + sh_ref[...]
    out_ref[...] = jnp.maximum(h, 0.0) * dis


def _tc_layer(agg, y, dis8, w, scale, shift):
    return pl.pallas_call(
        _layer_body,
        grid=(_GRID,),
        in_specs=[
            pl.BlockSpec((2, _BLK, F), lambda i: (0, i, 0)),
            pl.BlockSpec((_BLK, F), lambda i: (i, 0)),
            pl.BlockSpec((_BLK, 8), lambda i: (i, 0)),
            pl.BlockSpec((F, F), lambda i: (0, 0)),
            pl.BlockSpec((1, F), lambda i: (0, 0)),
            pl.BlockSpec((1, F), lambda i: (0, 0)),
        ],
        out_specs=pl.BlockSpec((_BLK, F), lambda i: (i, 0)),
        out_shape=jax.ShapeDtypeStruct((N_PAD, F), jnp.float32),
    )(agg, y, dis8, w, scale, shift)


def _final_body(agg_ref, y_ref, dis_ref, w_ref, b_ref, out_ref):
    dis = dis_ref[:, 0:1]
    z = (agg_ref[0] + agg_ref[1] + y_ref[...]) * dis
    o = jnp.dot(z, w_ref[...], preferred_element_type=jnp.float32) + b_ref[...]
    m = jnp.max(o, axis=-1, keepdims=True)
    e = o - m
    lse = jnp.log(jnp.sum(jnp.exp(e), axis=-1, keepdims=True))
    out_ref[...] = e - lse


def _tc_final(agg, y, dis8, w, b):
    return pl.pallas_call(
        _final_body,
        grid=(_GRID,),
        in_specs=[
            pl.BlockSpec((2, _BLK, F), lambda i: (0, i, 0)),
            pl.BlockSpec((_BLK, F), lambda i: (i, 0)),
            pl.BlockSpec((_BLK, 8), lambda i: (i, 0)),
            pl.BlockSpec((F, C), lambda i: (0, 0)),
            pl.BlockSpec((1, C), lambda i: (0, 0)),
        ],
        out_specs=pl.BlockSpec((_BLK, C), lambda i: (i, 0)),
        out_shape=jax.ShapeDtypeStruct((N_PAD, C), jnp.float32),
    )(agg, y, dis8, w, b)



def kernel(x, adj_t, W1, b1, g1, be1, W2, b2, g2, be2, W3, b3):
    x_pad = jnp.zeros((N_PAD, F), jnp.float32).at[:N].set(x)
    pad = jnp.full((E_PAD - E,), N, dtype=jnp.int32)
    src2d = jnp.concatenate([adj_t[0], pad]).reshape(E_PAD // CHUNK, CHUNK)
    dst2d = jnp.concatenate([adj_t[1], pad]).reshape(E_PAD // CHUNK, CHUNK)
    ones128 = jnp.ones((CHUNK, F), jnp.float32)
    zeros128 = jnp.zeros((N_PAD, F), jnp.float32)

    k = 1.0 / jnp.sqrt(jnp.float32(1.0 + 1e-5))
    sc1 = (g1 * k).reshape(1, F)
    sh1 = (b1 * g1 * k + be1).reshape(1, F)
    sc2 = (g2 * k).reshape(1, F)
    sh2 = (b2 * g2 * k + be2).reshape(1, F)

    deg_tbl = _sc_degree(dst2d, ones128, zeros128)
    dis8, y0 = _tc_prep(deg_tbl, x_pad)
    a1 = _sc_agg(y0, src2d, dst2d, zeros128)
    y1 = _tc_layer(a1, y0, dis8, W1, sc1, sh1)
    a2 = _sc_agg(y1, src2d, dst2d, zeros128)
    y2 = _tc_layer(a2, y1, dis8, W2, sc2, sh2)
    a3 = _sc_agg(y2, src2d, dst2d, zeros128)
    out = _tc_final(a3, y2, dis8, W3, b3.reshape(1, C))
    return out[:N]

# --- scband reference (transcript-rebuilt; emitter-appended) ---
"""Pipeline reference for scband-gcn-343597384437 (READ-ONLY COPY).

The authoritative reference and input builder live on the scoring server;
editing this copy changes nothing except your own understanding.
"""

import jax, jax.numpy as jnp
import numpy as np


def _gcn_conv(x, src, dst, W, b, n):
    # GCNConv: x' = D^{-1/2} (A + I) D^{-1/2} X W + b
    xw = x @ W
    loop = jnp.arange(n, dtype=src.dtype)
    s = jnp.concatenate([src, loop])
    d = jnp.concatenate([dst, loop])
    deg = jax.ops.segment_sum(jnp.ones(s.shape[0], dtype=x.dtype), d, num_segments=n)
    dis = jnp.where(deg > 0, 1.0 / jnp.sqrt(deg), 0.0)
    norm = dis[s] * dis[d]
    msg = xw[s] * norm[:, None]
    out = jax.ops.segment_sum(msg, d, num_segments=n)
    return out + b


def _bn_eval(x, g, b, eps=1e-5):
    # BatchNorm1d in eval mode: running_mean=0, running_var=1
    return x / jnp.sqrt(1.0 + eps) * g + b


def setup_inputs(seed: int = 0):
    key = jax.random.key(seed)
    ks = jax.random.split(key, 8)
    N, E, F_in, H, C = 10000, 320000, 128, 128, 40
    x = jax.random.normal(ks[0], (N, F_in), dtype=jnp.float32)
    adj_t = jax.random.randint(ks[1], (2, E), 0, N, dtype=jnp.int32)
    s1 = 1.0 / np.sqrt(F_in)
    s2 = 1.0 / np.sqrt(H)
    W1 = jax.random.uniform(ks[2], (F_in, H), minval=-s1, maxval=s1, dtype=jnp.float32)
    b1 = jnp.zeros((H,), jnp.float32)
    g1 = jnp.ones((H,), jnp.float32)
    be1 = jnp.zeros((H,), jnp.float32)
    W2 = jax.random.uniform(ks[3], (H, H), minval=-s2, maxval=s2, dtype=jnp.float32)
    b2 = jnp.zeros((H,), jnp.float32)
    g2 = jnp.ones((H,), jnp.float32)
    be2 = jnp.zeros((H,), jnp.float32)
    W3 = jax.random.uniform(ks[4], (H, C), minval=-s2, maxval=s2, dtype=jnp.float32)
    b3 = jnp.zeros((C,), jnp.float32)
    return {"x": x, "adj_t": adj_t, "W1": W1, "b1": b1, "g1": g1, "be1": be1,
            "W2": W2, "b2": b2, "g2": g2, "be2": be2, "W3": W3, "b3": b3}


def reference(x, adj_t, W1, b1, g1, be1, W2, b2, g2, be2, W3, b3):
    n = x.shape[0]
    src, dst = adj_t[0], adj_t[1]
    h = _gcn_conv(x, src, dst, W1, b1, n)
    h = _bn_eval(h, g1, be1)
    h = jax.nn.relu(h)
    # dropout is identity in eval mode
    h = _gcn_conv(h, src, dst, W2, b2, n)
    h = _bn_eval(h, g2, be2)
    h = jax.nn.relu(h)
    h = _gcn_conv(h, src, dst, W3, b3, n)
    return jax.nn.log_softmax(h, axis=-1)

if __name__ == "__main__":
    import jax
    _d = setup_inputs()
    print(jax.jit(kernel)(*tuple(_d.values())))

</pallas_src>

<mosaic_0001>
#map = affine_map<(d0, d1) -> (0, 0)>
#map1 = affine_map<(d0, d1) -> (0, 0, 0)>
module attributes {stable_mosaic.version = 14 : i64} {
  func.func @_deg_body(%arg0: i32, %arg1: i32, %arg2: memref<2560x128xi32, #tpu.memory_space<hbm>>, %arg3: memref<128x128xf32, #tpu.memory_space<hbm>>, %arg4: memref<10240x128xf32, #tpu.memory_space<hbm>>, %arg5: memref<2x10240x128xf32, #tpu.memory_space<hbm>>, %arg6: memref<10240x128xf32, #tpu.memory_space<vmem_shared>>, %arg7: memref<80x128xi32, #tpu.memory_space<vmem>>, %arg8: memref<128x128xf32, #tpu.memory_space<vmem>>) attributes {dimension_semantics = [#tpu.dimension_semantics<core_parallel>, #tpu.dimension_semantics<subcore_parallel>], iteration_bounds = array<i64: 2, 16>, scalar_prefetch = 0 : i64, scratch_operands = 3 : i64, tpu.core_type = #tpu.core_type<sc_vector_subcore>, window_params = [{transform_indices = #map}, {transform_indices = #map}, {transform_indices = #map}, {transform_indices = #map1}]} {
    %mul3A = arith.constant 16 : i32
    %mul3A_0 = arith.muli %arg0, %mul3A : i32
    %add3A = arith.addi %mul3A_0, %arg1 : i32
    %mul3A_1 = arith.constant 640 : i32
    %mul3A_2 = arith.muli %arg1, %mul3A_1 : i32
    "tpu.region"() ({
      %run_scoped3A = tpu.sem_alloc : memref<!tpu.dma_semaphore, #tpu.memory_space<semaphore_mem>>
      %dma_start3A = arith.constant 0 : i32
      %dma_start3A_10 = tpu.memref_slice %arg6[%mul3A_2, %dma_start3A] : memref<10240x128xf32, #tpu.memory_space<vmem_shared>> -> memref<640x128xf32, #tpu.memory_space<vmem_shared>>
      %dma_start3A_11 = arith.constant 0 : i32
      %dma_start3A_12 = tpu.memref_slice %arg4[%mul3A_2, %dma_start3A_11] : memref<10240x128xf32, #tpu.memory_space<hbm>> -> memref<640x128xf32, #tpu.memory_space<hbm>>
      tpu.enqueue_dma source(%dma_start3A_12 : memref<640x128xf32, #tpu.memory_space<hbm>>) target(%dma_start3A_10 : memref<640x128xf32, #tpu.memory_space<vmem_shared>>) target_semaphore(%run_scoped3A : memref<!tpu.dma_semaphore, #tpu.memory_space<semaphore_mem>>)
      %dma_wait3A = arith.constant 0 : i32
      %dma_wait3A_13 = tpu.memref_slice %arg6[%mul3A_2, %dma_wait3A] : memref<10240x128xf32, #tpu.memory_space<vmem_shared>> -> memref<640x128xf32, #tpu.memory_space<vmem_shared>>
      %dma_wait3A_14 = arith.constant 0 : i32
      %dma_wait3A_15 = tpu.memref_slice %arg4[%mul3A_2, %dma_wait3A_14] : memref<10240x128xf32, #tpu.memory_space<hbm>> -> memref<640x128xf32, #tpu.memory_space<hbm>>
      tpu.wait_dma2 semaphore(%run_scoped3A : memref<!tpu.dma_semaphore, #tpu.memory_space<semaphore_mem>>) src(%dma_wait3A_15 : memref<640x128xf32, #tpu.memory_space<hbm>>) dst(%dma_wait3A_13 : memref<640x128xf32, #tpu.memory_space<vmem_shared>>)
      tpu.yield
    }) : () -> ()
    %mul3A_3 = arith.constant 80 : i32
    %mul3A_4 = arith.muli %add3A, %mul3A_3 : i32
    "tpu.region"() ({
      %run_scoped3A = tpu.sem_alloc : memref<!tpu.dma_semaphore, #tpu.memory_space<semaphore_mem>>
      %dma_start3A = arith.constant 0 : i32
      %dma_start3A_10 = tpu.memref_slice %arg2[%mul3A_4, %dma_start3A] : memref<2560x128xi32, #tpu.memory_space<hbm>> -> memref<80x128xi32, #tpu.memory_space<hbm>>
      %dma_start3A_11 = arith.constant 0 : i32
      %dma_start3A_12 = tpu.memref_slice %arg2[%mul3A_4, %dma_start3A_11] : memref<2560x128xi32, #tpu.memory_space<hbm>> -> memref<80x128xi32, #tpu.memory_space<hbm>>
      tpu.enqueue_dma source(%dma_start3A_12 : memref<80x128xi32, #tpu.memory_space<hbm>>) target(%arg7 : memref<80x128xi32, #tpu.memory_space<vmem>>) target_semaphore(%run_scoped3A : memref<!tpu.dma_semaphore, #tpu.memory_space<semaphore_mem>>)
      %dma_wait3A = arith.constant 0 : i32
      %dma_wait3A_13 = tpu.memref_slice %arg2[%mul3A_4, %dma_wait3A] : memref<2560x128xi32, #tpu.memory_space<hbm>> -> memref<80x128xi32, #tpu.memory_space<hbm>>
      %dma_wait3A_14 = arith.constant 0 : i32
      %dma_wait3A_15 = tpu.memref_slice %arg2[%mul3A_4, %dma_wait3A_14] : memref<2560x128xi32, #tpu.memory_space<hbm>> -> memref<80x128xi32, #tpu.memory_space<hbm>>
      tpu.wait_dma2 semaphore(%run_scoped3A : memref<!tpu.dma_semaphore, #tpu.memory_space<semaphore_mem>>) src(%dma_wait3A_15 : memref<80x128xi32, #tpu.memory_space<hbm>>) dst(%arg7 : memref<80x128xi32, #tpu.memory_space<vmem>>)
      tpu.yield
    }) : () -> ()
    "tpu.region"() ({
      %run_scoped3A = tpu.sem_alloc : memref<!tpu.dma_semaphore, #tpu.memory_space<semaphore_mem>>
      tpu.enqueue_dma source(%arg3 : memref<128x128xf32, #tpu.memory_space<hbm>>) target(%arg8 : memref<128x128xf32, #tpu.memory_space<vmem>>) target_semaphore(%run_scoped3A : memref<!tpu.dma_semaphore, #tpu.memory_space<semaphore_mem>>)
      tpu.wait_dma2 semaphore(%run_scoped3A : memref<!tpu.dma_semaphore, #tpu.memory_space<semaphore_mem>>) src(%arg3 : memref<128x128xf32, #tpu.memory_space<hbm>>) dst(%arg8 : memref<128x128xf32, #tpu.memory_space<vmem>>)
      tpu.yield
    }) : () -> ()
    %barrier3A = arith.constant 0 : index
    tpu.barrier barrier_id(%barrier3A)
    %scan3A = arith.constant 0 : i32
    %scan3A_5 = arith.constant 80 : i32
    %scan3A_6 = arith.addi %scan3A, %scan3A_5 : i32
    %scan3A_7 = arith.constant 1 : i32
    scf.for %scan3A_10 = %scan3A to %scan3A_6 step %scan3A_7  : i32 {
      %mul3A_11 = arith.constant 1 : i32
      %mul3A_12 = arith.muli %scan3A_10, %mul3A_11 : i32
      %add3A_13 = arith.constant 0 : i32
      %add3A_14 = arith.addi %add3A_13, %mul3A_12 : i32
      "tpu.region"() ({
        %run_scoped3A = tpu.sem_alloc : memref<!tpu.dma_semaphore, #tpu.memory_space<semaphore_mem>>
        %dma_start3A = arith.constant 0 : i32
        %dma_start3A_15 = tpu.memref_slice %arg7[%add3A_14, %dma_start3A] : memref<80x128xi32, #tpu.memory_space<vmem>> -> memref<1x128xi32, #tpu.memory_space<vmem>>
        %dma_start3A_16 = tpu.memref_squeeze %dma_start3A_15 : memref<1x128xi32, #tpu.memory_space<vmem>> -> memref<128xi32, #tpu.memory_space<vmem>>
        %dma_start3A_17 = arith.constant 0 : i32
        %dma_start3A_18 = arith.constant 0 : i32
        %dma_start3A_19 = tpu.memref_slice %arg6[%dma_start3A_17, %dma_start3A_18] : memref<10240x128xf32, #tpu.memory_space<vmem_shared>> -> memref<10240x128xf32, #tpu.memory_space<vmem_shared>>
        tpu.enqueue_indirect_dma source(%arg8 : memref<128x128xf32, #tpu.memory_space<vmem>>) target(%dma_start3A_19 : memref<10240x128xf32, #tpu.memory_space<vmem_shared>>) offsets(%dma_start3A_16 : memref<128xi32, #tpu.memory_space<vmem>>) semaphore(%run_scoped3A : memref<!tpu.dma_semaphore, #tpu.memory_space<semaphore_mem>>) {add = true}
        %dma_wait3A = arith.constant 0 : i32
        %dma_wait3A_20 = tpu.memref_slice %arg7[%add3A_14, %dma_wait3A] : memref<80x128xi32, #tpu.memory_space<vmem>> -> memref<1x128xi32, #tpu.memory_space<vmem>>
        %dma_wait3A_21 = tpu.memref_squeeze %dma_wait3A_20 : memref<1x128xi32, #tpu.memory_space<vmem>> -> memref<128xi32, #tpu.memory_space<vmem>>
        %dma_wait3A_22 = arith.constant 0 : i32
        %dma_wait3A_23 = arith.constant 0 : i32
        %dma_wait3A_24 = tpu.memref_slice %arg6[%dma_wait3A_22, %dma_wait3A_23] : memref<10240x128xf32, #tpu.memory_space<vmem_shared>> -> memref<10240x128xf32, #tpu.memory_space<vmem_shared>>
        tpu.wait_indirect_dma semaphore(%run_scoped3A : memref<!tpu.dma_semaphore, #tpu.memory_space<semaphore_mem>>) src(%arg8 : memref<128x128xf32, #tpu.memory_space<vmem>>) dst(%dma_wait3A_24 : memref<10240x128xf32, #tpu.memory_space<vmem_shared>>)
        tpu.yield
      }) : () -> ()
    }
    %scan3A_8 = arith.constant 80 : i32
    %barrier3A_9 = arith.constant 0 : index
    tpu.barrier barrier_id(%barrier3A_9)
    "tpu.region"() ({
      %run_scoped3A = tpu.sem_alloc : memref<!tpu.dma_semaphore, #tpu.memory_space<semaphore_mem>>
      %dma_start3A = arith.constant 0 : i32
      %dma_start3A_10 = tpu.memref_slice %arg5[%arg0, %mul3A_2, %dma_start3A] : memref<2x10240x128xf32, #tpu.memory_space<hbm>> -> memref<1x640x128xf32, #tpu.memory_space<hbm>>
      %dma_start3A_11 = tpu.memref_squeeze %dma_start3A_10 : memref<1x640x128xf32, #tpu.memory_space<hbm>> -> memref<640x128xf32, #tpu.memory_space<hbm>>
      %dma_start3A_12 = arith.constant 0 : i32
      %dma_start3A_13 = tpu.memref_slice %arg6[%mul3A_2, %dma_start3A_12] : memref<10240x128xf32, #tpu.memory_space<vmem_shared>> -> memref<640x128xf32, #tpu.memory_space<vmem_shared>>
      tpu.enqueue_dma source(%dma_start3A_13 : memref<640x128xf32, #tpu.memory_space<vmem_shared>>) target(%dma_start3A_11 : memref<640x128xf32, #tpu.memory_space<hbm>>) target_semaphore(%run_scoped3A : memref<!tpu.dma_semaphore, #tpu.memory_space<semaphore_mem>>)
      %dma_wait3A = arith.constant 0 : i32
      %dma_wait3A_14 = tpu.memref_slice %arg5[%arg0, %mul3A_2, %dma_wait3A] : memref<2x10240x128xf32, #tpu.memory_space<hbm>> -> memref<1x640x128xf32, #tpu.memory_space<hbm>>
      %dma_wait3A_15 = tpu.memref_squeeze %dma_wait3A_14 : memref<1x640x128xf32, #tpu.memory_space<hbm>> -> memref<640x128xf32, #tpu.memory_space<hbm>>
      %dma_wait3A_16 = arith.constant 0 : i32
      %dma_wait3A_17 = tpu.memref_slice %arg6[%mul3A_2, %dma_wait3A_16] : memref<10240x128xf32, #tpu.memory_space<vmem_shared>> -> memref<640x128xf32, #tpu.memory_space<vmem_shared>>
      tpu.wait_dma2 semaphore(%run_scoped3A : memref<!tpu.dma_semaphore, #tpu.memory_space<semaphore_mem>>) src(%dma_wait3A_17 : memref<640x128xf32, #tpu.memory_space<vmem_shared>>) dst(%dma_wait3A_15 : memref<640x128xf32, #tpu.memory_space<hbm>>)
      tpu.yield
    }) : () -> ()
    return
  }
}

#map = affine_map<(d0, d1) -> (0, 0)>
#map1 = affine_map<(d0, d1) -> (0, 0, 0)>
module attributes {stable_mosaic.version = 14 : i64} {
  func.func @_agg_body(%arg0: i32, %arg1: i32, %arg2: memref<10240x128xf32, #tpu.memory_space<hbm>>, %arg3: memref<2560x128xi32, #tpu.memory_space<hbm>>, %arg4: memref<2560x128xi32, #tpu.memory_space<hbm>>, %arg5: memref<10240x128xf32, #tpu.memory_space<hbm>>, %arg6: memref<2x10240x128xf32, #tpu.memory_space<hbm>>, %arg7: memref<10240x128xf32, #tpu.memory_space<vmem_shared>>, %arg8: memref<80x128xi32, #tpu.memory_space<vmem>>, %arg9: memref<80x128xi32, #tpu.memory_space<vmem>>, %arg10: memref<128x128xf32, #tpu.memory_space<vmem>>, %arg11: memref<!tpu.dma_semaphore, #tpu.memory_space<semaphore_mem>>) attributes {dimension_semantics = [#tpu.dimension_semantics<core_parallel>, #tpu.dimension_semantics<subcore_parallel>], iteration_bounds = array<i64: 2, 16>, scalar_prefetch = 0 : i64, scratch_operands = 5 : i64, tpu.core_type = #tpu.core_type<sc_vector_subcore>, window_params = [{transform_indices = #map}, {transform_indices = #map}, {transform_indices = #map}, {transform_indices = #map}, {transform_indices = #map1}]} {
    %mul3A = arith.constant 16 : i32
    %mul3A_0 = arith.muli %arg0, %mul3A : i32
    %add3A = arith.addi %mul3A_0, %arg1 : i32
    %mul3A_1 = arith.constant 640 : i32
    %mul3A_2 = arith.muli %arg1, %mul3A_1 : i32
    "tpu.region"() ({
      %run_scoped3A = tpu.sem_alloc : memref<!tpu.dma_semaphore, #tpu.memory_space<semaphore_mem>>
      %dma_start3A = arith.constant 0 : i32
      %dma_start3A_12 = tpu.memref_slice %arg7[%mul3A_2, %dma_start3A] : memref<10240x128xf32, #tpu.memory_space<vmem_shared>> -> memref<640x128xf32, #tpu.memory_space<vmem_shared>>
      %dma_start3A_13 = arith.constant 0 : i32
      %dma_start3A_14 = tpu.memref_slice %arg5[%mul3A_2, %dma_start3A_13] : memref<10240x128xf32, #tpu.memory_space<hbm>> -> memref<640x128xf32, #tpu.memory_space<hbm>>
      tpu.enqueue_dma source(%dma_start3A_14 : memref<640x128xf32, #tpu.memory_space<hbm>>) target(%dma_start3A_12 : memref<640x128xf32, #tpu.memory_space<vmem_shared>>) target_semaphore(%run_scoped3A : memref<!tpu.dma_semaphore, #tpu.memory_space<semaphore_mem>>)
      %dma_wait3A = arith.constant 0 : i32
      %dma_wait3A_15 = tpu.memref_slice %arg7[%mul3A_2, %dma_wait3A] : memref<10240x128xf32, #tpu.memory_space<vmem_shared>> -> memref<640x128xf32, #tpu.memory_space<vmem_shared>>
      %dma_wait3A_16 = arith.constant 0 : i32
      %dma_wait3A_17 = tpu.memref_slice %arg5[%mul3A_2, %dma_wait3A_16] : memref<10240x128xf32, #tpu.memory_space<hbm>> -> memref<640x128xf32, #tpu.memory_space<hbm>>
      tpu.wait_dma2 semaphore(%run_scoped3A : memref<!tpu.dma_semaphore, #tpu.memory_space<semaphore_mem>>) src(%dma_wait3A_17 : memref<640x128xf32, #tpu.memory_space<hbm>>) dst(%dma_wait3A_15 : memref<640x128xf32, #tpu.memory_space<vmem_shared>>)
      tpu.yield
    }) : () -> ()
    %mul3A_3 = arith.constant 80 : i32
    %mul3A_4 = arith.muli %add3A, %mul3A_3 : i32
    "tpu.region"() ({
      %run_scoped3A = tpu.sem_alloc : memref<!tpu.dma_semaphore, #tpu.memory_space<semaphore_mem>>
      %dma_start3A = arith.constant 0 : i32
      %dma_start3A_12 = tpu.memref_slice %arg3[%mul3A_4, %dma_start3A] : memref<2560x128xi32, #tpu.memory_space<hbm>> -> memref<80x128xi32, #tpu.memory_space<hbm>>
      %dma_start3A_13 = arith.constant 0 : i32
      %dma_start3A_14 = tpu.memref_slice %arg3[%mul3A_4, %dma_start3A_13] : memref<2560x128xi32, #tpu.memory_space<hbm>> -> memref<80x128xi32, #tpu.memory_space<hbm>>
      tpu.enqueue_dma source(%dma_start3A_14 : memref<80x128xi32, #tpu.memory_space<hbm>>) target(%arg8 : memref<80x128xi32, #tpu.memory_space<vmem>>) target_semaphore(%run_scoped3A : memref<!tpu.dma_semaphore, #tpu.memory_space<semaphore_mem>>)
      %dma_wait3A = arith.constant 0 : i32
      %dma_wait3A_15 = tpu.memref_slice %arg3[%mul3A_4, %dma_wait3A] : memref<2560x128xi32, #tpu.memory_space<hbm>> -> memref<80x128xi32, #tpu.memory_space<hbm>>
      %dma_wait3A_16 = arith.constant 0 : i32
      %dma_wait3A_17 = tpu.memref_slice %arg3[%mul3A_4, %dma_wait3A_16] : memref<2560x128xi32, #tpu.memory_space<hbm>> -> memref<80x128xi32, #tpu.memory_space<hbm>>
      tpu.wait_dma2 semaphore(%run_scoped3A : memref<!tpu.dma_semaphore, #tpu.memory_space<semaphore_mem>>) src(%dma_wait3A_17 : memref<80x128xi32, #tpu.memory_space<hbm>>) dst(%arg8 : memref<80x128xi32, #tpu.memory_space<vmem>>)
      tpu.yield
    }) : () -> ()
    %mul3A_5 = arith.constant 80 : i32
    %mul3A_6 = arith.muli %add3A, %mul3A_5 : i32
    "tpu.region"() ({
      %run_scoped3A = tpu.sem_alloc : memref<!tpu.dma_semaphore, #tpu.memory_space<semaphore_mem>>
      %dma_start3A = arith.constant 0 : i32
      %dma_start3A_12 = tpu.memref_slice %arg4[%mul3A_6, %dma_start3A] : memref<2560x128xi32, #tpu.memory_space<hbm>> -> memref<80x128xi32, #tpu.memory_space<hbm>>
      %dma_start3A_13 = arith.constant 0 : i32
      %dma_start3A_14 = tpu.memref_slice %arg4[%mul3A_6, %dma_start3A_13] : memref<2560x128xi32, #tpu.memory_space<hbm>> -> memref<80x128xi32, #tpu.memory_space<hbm>>
      tpu.enqueue_dma source(%dma_start3A_14 : memref<80x128xi32, #tpu.memory_space<hbm>>) target(%arg9 : memref<80x128xi32, #tpu.memory_space<vmem>>) target_semaphore(%run_scoped3A : memref<!tpu.dma_semaphore, #tpu.memory_space<semaphore_mem>>)
      %dma_wait3A = arith.constant 0 : i32
      %dma_wait3A_15 = tpu.memref_slice %arg4[%mul3A_6, %dma_wait3A] : memref<2560x128xi32, #tpu.memory_space<hbm>> -> memref<80x128xi32, #tpu.memory_space<hbm>>
      %dma_wait3A_16 = arith.constant 0 : i32
      %dma_wait3A_17 = tpu.memref_slice %arg4[%mul3A_6, %dma_wait3A_16] : memref<2560x128xi32, #tpu.memory_space<hbm>> -> memref<80x128xi32, #tpu.memory_space<hbm>>
      tpu.wait_dma2 semaphore(%run_scoped3A : memref<!tpu.dma_semaphore, #tpu.memory_space<semaphore_mem>>) src(%dma_wait3A_17 : memref<80x128xi32, #tpu.memory_space<hbm>>) dst(%arg9 : memref<80x128xi32, #tpu.memory_space<vmem>>)
      tpu.yield
    }) : () -> ()
    %barrier3A = arith.constant 0 : index
    tpu.barrier barrier_id(%barrier3A)
    %scan3A = arith.constant 0 : i32
    %scan3A_7 = arith.constant 80 : i32
    %scan3A_8 = arith.addi %scan3A, %scan3A_7 : i32
    %scan3A_9 = arith.constant 1 : i32
    scf.for %scan3A_12 = %scan3A to %scan3A_8 step %scan3A_9  : i32 {
      %mul3A_13 = arith.constant 1 : i32
      %mul3A_14 = arith.muli %scan3A_12, %mul3A_13 : i32
      %add3A_15 = arith.constant 0 : i32
      %add3A_16 = arith.addi %add3A_15, %mul3A_14 : i32
      %dma_start3A = arith.constant 0 : i32
      %dma_start3A_17 = tpu.memref_slice %arg8[%add3A_16, %dma_start3A] : memref<80x128xi32, #tpu.memory_space<vmem>> -> memref<1x128xi32, #tpu.memory_space<vmem>>
      %dma_start3A_18 = tpu.memref_squeeze %dma_start3A_17 : memref<1x128xi32, #tpu.memory_space<vmem>> -> memref<128xi32, #tpu.memory_space<vmem>>
      %dma_start3A_19 = arith.constant 0 : i32
      %dma_start3A_20 = arith.constant 0 : i32
      %dma_start3A_21 = tpu.memref_slice %arg2[%dma_start3A_19, %dma_start3A_20] : memref<10240x128xf32, #tpu.memory_space<hbm>> -> memref<10240x128xf32, #tpu.memory_space<hbm>>
      tpu.enqueue_indirect_dma source(%dma_start3A_21 : memref<10240x128xf32, #tpu.memory_space<hbm>>) target(%arg10 : memref<128x128xf32, #tpu.memory_space<vmem>>) offsets(%dma_start3A_18 : memref<128xi32, #tpu.memory_space<vmem>>) semaphore(%arg11 : memref<!tpu.dma_semaphore, #tpu.memory_space<semaphore_mem>>)
      %dma_wait3A = arith.constant 0 : i32
      %dma_wait3A_22 = tpu.memref_slice %arg8[%add3A_16, %dma_wait3A] : memref<80x128xi32, #tpu.memory_space<vmem>> -> memref<1x128xi32, #tpu.memory_space<vmem>>
      %dma_wait3A_23 = tpu.memref_squeeze %dma_wait3A_22 : memref<1x128xi32, #tpu.memory_space<vmem>> -> memref<128xi32, #tpu.memory_space<vmem>>
      %dma_wait3A_24 = arith.constant 0 : i32
      %dma_wait3A_25 = arith.constant 0 : i32
      %dma_wait3A_26 = tpu.memref_slice %arg2[%dma_wait3A_24, %dma_wait3A_25] : memref<10240x128xf32, #tpu.memory_space<hbm>> -> memref<10240x128xf32, #tpu.memory_space<hbm>>
      tpu.wait_indirect_dma semaphore(%arg11 : memref<!tpu.dma_semaphore, #tpu.memory_space<semaphore_mem>>) src(%dma_wait3A_26 : memref<10240x128xf32, #tpu.memory_space<hbm>>) dst(%arg10 : memref<128x128xf32, #tpu.memory_space<vmem>>)
      "tpu.region"() ({
        %run_scoped3A = tpu.sem_alloc : memref<!tpu.dma_semaphore, #tpu.memory_space<semaphore_mem>>
        %dma_start3A_27 = arith.constant 0 : i32
        %dma_start3A_28 = tpu.memref_slice %arg9[%add3A_16, %dma_start3A_27] : memref<80x128xi32, #tpu.memory_space<vmem>> -> memref<1x128xi32, #tpu.memory_space<vmem>>
        %dma_start3A_29 = tpu.memref_squeeze %dma_start3A_28 : memref<1x128xi32, #tpu.memory_space<vmem>> -> memref<128xi32, #tpu.memory_space<vmem>>
        %dma_start3A_30 = arith.constant 0 : i32
        %dma_start3A_31 = arith.constant 0 : i32
        %dma_start3A_32 = tpu.memref_slice %arg7[%dma_start3A_30, %dma_start3A_31] : memref<10240x128xf32, #tpu.memory_space<vmem_shared>> -> memref<10240x128xf32, #tpu.memory_space<vmem_shared>>
        tpu.enqueue_indirect_dma source(%arg10 : memref<128x128xf32, #tpu.memory_space<vmem>>) target(%dma_start3A_32 : memref<10240x128xf32, #tpu.memory_space<vmem_shared>>) offsets(%dma_start3A_29 : memref<128xi32, #tpu.memory_space<vmem>>) semaphore(%run_scoped3A : memref<!tpu.dma_semaphore, #tpu.memory_space<semaphore_mem>>) {add = true}
        %dma_wait3A_33 = arith.constant 0 : i32
        %dma_wait3A_34 = tpu.memref_slice %arg9[%add3A_16, %dma_wait3A_33] : memref<80x128xi32, #tpu.memory_space<vmem>> -> memref<1x128xi32, #tpu.memory_space<vmem>>
        %dma_wait3A_35 = tpu.memref_squeeze %dma_wait3A_34 : memref<1x128xi32, #tpu.memory_space<vmem>> -> memref<128xi32, #tpu.memory_space<vmem>>
        %dma_wait3A_36 = arith.constant 0 : i32
        %dma_wait3A_37 = arith.constant 0 : i32
        %dma_wait3A_38 = tpu.memref_slice %arg7[%dma_wait3A_36, %dma_wait3A_37] : memref<10240x128xf32, #tpu.memory_space<vmem_shared>> -> memref<10240x128xf32, #tpu.memory_space<vmem_shared>>
        tpu.wait_indirect_dma semaphore(%run_scoped3A : memref<!tpu.dma_semaphore, #tpu.memory_space<semaphore_mem>>) src(%arg10 : memref<128x128xf32, #tpu.memory_space<vmem>>) dst(%dma_wait3A_38 : memref<10240x128xf32, #tpu.memory_space<vmem_shared>>)
        tpu.yield
      }) : () -> ()
    }
    %scan3A_10 = arith.constant 80 : i32
    %barrier3A_11 = arith.constant 0 : index
    tpu.barrier barrier_id(%barrier3A_11)
    "tpu.region"() ({
      %run_scoped3A = tpu.sem_alloc : memref<!tpu.dma_semaphore, #tpu.memory_space<semaphore_mem>>
      %dma_start3A = arith.constant 0 : i32
      %dma_start3A_12 = tpu.memref_slice %arg6[%arg0, %mul3A_2, %dma_start3A] : memref<2x10240x128xf32, #tpu.memory_space<hbm>> -> memref<1x640x128xf32, #tpu.memory_space<hbm>>
      %dma_start3A_13 = tpu.memref_squeeze %dma_start3A_12 : memref<1x640x128xf32, #tpu.memory_space<hbm>> -> memref<640x128xf32, #tpu.memory_space<hbm>>
      %dma_start3A_14 = arith.constant 0 : i32
      %dma_start3A_15 = tpu.memref_slice %arg7[%mul3A_2, %dma_start3A_14] : memref<10240x128xf32, #tpu.memory_space<vmem_shared>> -> memref<640x128xf32, #tpu.memory_space<vmem_shared>>
      tpu.enqueue_dma source(%dma_start3A_15 : memref<640x128xf32, #tpu.memory_space<vmem_shared>>) target(%dma_start3A_13 : memref<640x128xf32, #tpu.memory_space<hbm>>) target_semaphore(%run_scoped3A : memref<!tpu.dma_semaphore, #tpu.memory_space<semaphore_mem>>)
      %dma_wait3A = arith.constant 0 : i32
      %dma_wait3A_16 = tpu.memref_slice %arg6[%arg0, %mul3A_2, %dma_wait3A] : memref<2x10240x128xf32, #tpu.memory_space<hbm>> -> memref<1x640x128xf32, #tpu.memory_space<hbm>>
      %dma_wait3A_17 = tpu.memref_squeeze %dma_wait3A_16 : memref<1x640x128xf32, #tpu.memory_space<hbm>> -> memref<640x128xf32, #tpu.memory_space<hbm>>
      %dma_wait3A_18 = arith.constant 0 : i32
      %dma_wait3A_19 = tpu.memref_slice %arg7[%mul3A_2, %dma_wait3A_18] : memref<10240x128xf32, #tpu.memory_space<vmem_shared>> -> memref<640x128xf32, #tpu.memory_space<vmem_shared>>
      tpu.wait_dma2 semaphore(%run_scoped3A : memref<!tpu.dma_semaphore, #tpu.memory_space<semaphore_mem>>) src(%dma_wait3A_19 : memref<640x128xf32, #tpu.memory_space<vmem_shared>>) dst(%dma_wait3A_17 : memref<640x128xf32, #tpu.memory_space<hbm>>)
      tpu.yield
    }) : () -> ()
    return
  }
}

#map = affine_map<(d0, d1) -> (0, 0)>
#map1 = affine_map<(d0, d1) -> (0, 0, 0)>
module attributes {stable_mosaic.version = 14 : i64} {
  func.func @_agg_body(%arg0: i32, %arg1: i32, %arg2: memref<10240x128xf32, #tpu.memory_space<hbm>>, %arg3: memref<2560x128xi32, #tpu.memory_space<hbm>>, %arg4: memref<2560x128xi32, #tpu.memory_space<hbm>>, %arg5: memref<10240x128xf32, #tpu.memory_space<hbm>>, %arg6: memref<2x10240x128xf32, #tpu.memory_space<hbm>>, %arg7: memref<10240x128xf32, #tpu.memory_space<vmem_shared>>, %arg8: memref<80x128xi32, #tpu.memory_space<vmem>>, %arg9: memref<80x128xi32, #tpu.memory_space<vmem>>, %arg10: memref<128x128xf32, #tpu.memory_space<vmem>>, %arg11: memref<!tpu.dma_semaphore, #tpu.memory_space<semaphore_mem>>) attributes {dimension_semantics = [#tpu.dimension_semantics<core_parallel>, #tpu.dimension_semantics<subcore_parallel>], iteration_bounds = array<i64: 2, 16>, scalar_prefetch = 0 : i64, scratch_operands = 5 : i64, tpu.core_type = #tpu.core_type<sc_vector_subcore>, window_params = [{transform_indices = #map}, {transform_indices = #map}, {transform_indices = #map}, {transform_indices = #map}, {transform_indices = #map1}]} {
    %mul3A = arith.constant 16 : i32
    %mul3A_0 = arith.muli %arg0, %mul3A : i32
    %add3A = arith.addi %mul3A_0, %arg1 : i32
    %mul3A_1 = arith.constant 640 : i32
    %mul3A_2 = arith.muli %arg1, %mul3A_1 : i32
    "tpu.region"() ({
      %run_scoped3A = tpu.sem_alloc : memref<!tpu.dma_semaphore, #tpu.memory_space<semaphore_mem>>
      %dma_start3A = arith.constant 0 : i32
      %dma_start3A_12 = tpu.memref_slice %arg7[%mul3A_2, %dma_start3A] : memref<10240x128xf32, #tpu.memory_space<vmem_shared>> -> memref<640x128xf32, #tpu.memory_space<vmem_shared>>
      %dma_start3A_13 = arith.constant 0 : i32
      %dma_start3A_14 = tpu.memref_slice %arg5[%mul3A_2, %dma_start3A_13] : memref<10240x128xf32, #tpu.memory_space<hbm>> -> memref<640x128xf32, #tpu.memory_space<hbm>>
      tpu.enqueue_dma source(%dma_start3A_14 : memref<640x128xf32, #tpu.memory_space<hbm>>) target(%dma_start3A_12 : memref<640x128xf32, #tpu.memory_space<vmem_shared>>) target_semaphore(%run_scoped3A : memref<!tpu.dma_semaphore, #tpu.memory_space<semaphore_mem>>)
      %dma_wait3A = arith.constant 0 : i32
      %dma_wait3A_15 = tpu.memref_slice %arg7[%mul3A_2, %dma_wait3A] : memref<10240x128xf32, #tpu.memory_space<vmem_shared>> -> memref<640x128xf32, #tpu.memory_space<vmem_shared>>
      %dma_wait3A_16 = arith.constant 0 : i32
      %dma_wait3A_17 = tpu.memref_slice %arg5[%mul3A_2, %dma_wait3A_16] : memref<10240x128xf32, #tpu.memory_space<hbm>> -> memref<640x128xf32, #tpu.memory_space<hbm>>
      tpu.wait_dma2 semaphore(%run_scoped3A : memref<!tpu.dma_semaphore, #tpu.memory_space<semaphore_mem>>) src(%dma_wait3A_17 : memref<640x128xf32, #tpu.memory_space<hbm>>) dst(%dma_wait3A_15 : memref<640x128xf32, #tpu.memory_space<vmem_shared>>)
      tpu.yield
    }) : () -> ()
    %mul3A_3 = arith.constant 80 : i32
    %mul3A_4 = arith.muli %add3A, %mul3A_3 : i32
    "tpu.region"() ({
      %run_scoped3A = tpu.sem_alloc : memref<!tpu.dma_semaphore, #tpu.memory_space<semaphore_mem>>
      %dma_start3A = arith.constant 0 : i32
      %dma_start3A_12 = tpu.memref_slice %arg3[%mul3A_4, %dma_start3A] : memref<2560x128xi32, #tpu.memory_space<hbm>> -> memref<80x128xi32, #tpu.memory_space<hbm>>
      %dma_start3A_13 = arith.constant 0 : i32
      %dma_start3A_14 = tpu.memref_slice %arg3[%mul3A_4, %dma_start3A_13] : memref<2560x128xi32, #tpu.memory_space<hbm>> -> memref<80x128xi32, #tpu.memory_space<hbm>>
      tpu.enqueue_dma source(%dma_start3A_14 : memref<80x128xi32, #tpu.memory_space<hbm>>) target(%arg8 : memref<80x128xi32, #tpu.memory_space<vmem>>) target_semaphore(%run_scoped3A : memref<!tpu.dma_semaphore, #tpu.memory_space<semaphore_mem>>)
      %dma_wait3A = arith.constant 0 : i32
      %dma_wait3A_15 = tpu.memref_slice %arg3[%mul3A_4, %dma_wait3A] : memref<2560x128xi32, #tpu.memory_space<hbm>> -> memref<80x128xi32, #tpu.memory_space<hbm>>
      %dma_wait3A_16 = arith.constant 0 : i32
      %dma_wait3A_17 = tpu.memref_slice %arg3[%mul3A_4, %dma_wait3A_16] : memref<2560x128xi32, #tpu.memory_space<hbm>> -> memref<80x128xi32, #tpu.memory_space<hbm>>
      tpu.wait_dma2 semaphore(%run_scoped3A : memref<!tpu.dma_semaphore, #tpu.memory_space<semaphore_mem>>) src(%dma_wait3A_17 : memref<80x128xi32, #tpu.memory_space<hbm>>) dst(%arg8 : memref<80x128xi32, #tpu.memory_space<vmem>>)
      tpu.yield
    }) : () -> ()
    %mul3A_5 = arith.constant 80 : i32
    %mul3A_6 = arith.muli %add3A, %mul3A_5 : i32
    "tpu.region"() ({
      %run_scoped3A = tpu.sem_alloc : memref<!tpu.dma_semaphore, #tpu.memory_space<semaphore_mem>>
      %dma_start3A = arith.constant 0 : i32
      %dma_start3A_12 = tpu.memref_slice %arg4[%mul3A_6, %dma_start3A] : memref<2560x128xi32, #tpu.memory_space<hbm>> -> memref<80x128xi32, #tpu.memory_space<hbm>>
      %dma_start3A_13 = arith.constant 0 : i32
      %dma_start3A_14 = tpu.memref_slice %arg4[%mul3A_6, %dma_start3A_13] : memref<2560x128xi32, #tpu.memory_space<hbm>> -> memref<80x128xi32, #tpu.memory_space<hbm>>
      tpu.enqueue_dma source(%dma_start3A_14 : memref<80x128xi32, #tpu.memory_space<hbm>>) target(%arg9 : memref<80x128xi32, #tpu.memory_space<vmem>>) target_semaphore(%run_scoped3A : memref<!tpu.dma_semaphore, #tpu.memory_space<semaphore_mem>>)
      %dma_wait3A = arith.constant 0 : i32
      %dma_wait3A_15 = tpu.memref_slice %arg4[%mul3A_6, %dma_wait3A] : memref<2560x128xi32, #tpu.memory_space<hbm>> -> memref<80x128xi32, #tpu.memory_space<hbm>>
      %dma_wait3A_16 = arith.constant 0 : i32
      %dma_wait3A_17 = tpu.memref_slice %arg4[%mul3A_6, %dma_wait3A_16] : memref<2560x128xi32, #tpu.memory_space<hbm>> -> memref<80x128xi32, #tpu.memory_space<hbm>>
      tpu.wait_dma2 semaphore(%run_scoped3A : memref<!tpu.dma_semaphore, #tpu.memory_space<semaphore_mem>>) src(%dma_wait3A_17 : memref<80x128xi32, #tpu.memory_space<hbm>>) dst(%arg9 : memref<80x128xi32, #tpu.memory_space<vmem>>)
      tpu.yield
    }) : () -> ()
    %barrier3A = arith.constant 0 : index
    tpu.barrier barrier_id(%barrier3A)
    %scan3A = arith.constant 0 : i32
    %scan3A_7 = arith.constant 80 : i32
    %scan3A_8 = arith.addi %scan3A, %scan3A_7 : i32
    %scan3A_9 = arith.constant 1 : i32
    scf.for %scan3A_12 = %scan3A to %scan3A_8 step %scan3A_9  : i32 {
      %mul3A_13 = arith.constant 1 : i32
      %mul3A_14 = arith.muli %scan3A_12, %mul3A_13 : i32
      %add3A_15 = arith.constant 0 : i32
      %add3A_16 = arith.addi %add3A_15, %mul3A_14 : i32
      %dma_start3A = arith.constant 0 : i32
      %dma_start3A_17 = tpu.memref_slice %arg8[%add3A_16, %dma_start3A] : memref<80x128xi32, #tpu.memory_space<vmem>> -> memref<1x128xi32, #tpu.memory_space<vmem>>
      %dma_start3A_18 = tpu.memref_squeeze %dma_start3A_17 : memref<1x128xi32, #tpu.memory_space<vmem>> -> memref<128xi32, #tpu.memory_space<vmem>>
      %dma_start3A_19 = arith.constant 0 : i32
      %dma_start3A_20 = arith.constant 0 : i32
      %dma_start3A_21 = tpu.memref_slice %arg2[%dma_start3A_19, %dma_start3A_20] : memref<10240x128xf32, #tpu.memory_space<hbm>> -> memref<10240x128xf32, #tpu.memory_space<hbm>>
      tpu.enqueue_indirect_dma source(%dma_start3A_21 : memref<10240x128xf32, #tpu.memory_space<hbm>>) target(%arg10 : memref<128x128xf32, #tpu.memory_space<vmem>>) offsets(%dma_start3A_18 : memref<128xi32, #tpu.memory_space<vmem>>) semaphore(%arg11 : memref<!tpu.dma_semaphore, #tpu.memory_space<semaphore_mem>>)
      %dma_wait3A = arith.constant 0 : i32
      %dma_wait3A_22 = tpu.memref_slice %arg8[%add3A_16, %dma_wait3A] : memref<80x128xi32, #tpu.memory_space<vmem>> -> memref<1x128xi32, #tpu.memory_space<vmem>>
      %dma_wait3A_23 = tpu.memref_squeeze %dma_wait3A_22 : memref<1x128xi32, #tpu.memory_space<vmem>> -> memref<128xi32, #tpu.memory_space<vmem>>
      %dma_wait3A_24 = arith.constant 0 : i32
      %dma_wait3A_25 = arith.constant 0 : i32
      %dma_wait3A_26 = tpu.memref_slice %arg2[%dma_wait3A_24, %dma_wait3A_25] : memref<10240x128xf32, #tpu.memory_space<hbm>> -> memref<10240x128xf32, #tpu.memory_space<hbm>>
      tpu.wait_indirect_dma semaphore(%arg11 : memref<!tpu.dma_semaphore, #tpu.memory_space<semaphore_mem>>) src(%dma_wait3A_26 : memref<10240x128xf32, #tpu.memory_space<hbm>>) dst(%arg10 : memref<128x128xf32, #tpu.memory_space<vmem>>)
      "tpu.region"() ({
        %run_scoped3A = tpu.sem_alloc : memref<!tpu.dma_semaphore, #tpu.memory_space<semaphore_mem>>
        %dma_start3A_27 = arith.constant 0 : i32
        %dma_start3A_28 = tpu.memref_slice %arg9[%add3A_16, %dma_start3A_27] : memref<80x128xi32, #tpu.memory_space<vmem>> -> memref<1x128xi32, #tpu.memory_space<vmem>>
        %dma_start3A_29 = tpu.memref_squeeze %dma_start3A_28 : memref<1x128xi32, #tpu.memory_space<vmem>> -> memref<128xi32, #tpu.memory_space<vmem>>
        %dma_start3A_30 = arith.constant 0 : i32
        %dma_start3A_31 = arith.constant 0 : i32
        %dma_start3A_32 = tpu.memref_slice %arg7[%dma_start3A_30, %dma_start3A_31] : memref<10240x128xf32, #tpu.memory_space<vmem_shared>> -> memref<10240x128xf32, #tpu.memory_space<vmem_shared>>
        tpu.enqueue_indirect_dma source(%arg10 : memref<128x128xf32, #tpu.memory_space<vmem>>) target(%dma_start3A_32 : memref<10240x128xf32, #tpu.memory_space<vmem_shared>>) offsets(%dma_start3A_29 : memref<128xi32, #tpu.memory_space<vmem>>) semaphore(%run_scoped3A : memref<!tpu.dma_semaphore, #tpu.memory_space<semaphore_mem>>) {add = true}
        %dma_wait3A_33 = arith.constant 0 : i32
        %dma_wait3A_34 = tpu.memref_slice %arg9[%add3A_16, %dma_wait3A_33] : memref<80x128xi32, #tpu.memory_space<vmem>> -> memref<1x128xi32, #tpu.memory_space<vmem>>
        %dma_wait3A_35 = tpu.memref_squeeze %dma_wait3A_34 : memref<1x128xi32, #tpu.memory_space<vmem>> -> memref<128xi32, #tpu.memory_space<vmem>>
        %dma_wait3A_36 = arith.constant 0 : i32
        %dma_wait3A_37 = arith.constant 0 : i32
        %dma_wait3A_38 = tpu.memref_slice %arg7[%dma_wait3A_36, %dma_wait3A_37] : memref<10240x128xf32, #tpu.memory_space<vmem_shared>> -> memref<10240x128xf32, #tpu.memory_space<vmem_shared>>
        tpu.wait_indirect_dma semaphore(%run_scoped3A : memref<!tpu.dma_semaphore, #tpu.memory_space<semaphore_mem>>) src(%arg10 : memref<128x128xf32, #tpu.memory_space<vmem>>) dst(%dma_wait3A_38 : memref<10240x128xf32, #tpu.memory_space<vmem_shared>>)
        tpu.yield
      }) : () -> ()
    }
    %scan3A_10 = arith.constant 80 : i32
    %barrier3A_11 = arith.constant 0 : index
    tpu.barrier barrier_id(%barrier3A_11)
    "tpu.region"() ({
      %run_scoped3A = tpu.sem_alloc : memref<!tpu.dma_semaphore, #tpu.memory_space<semaphore_mem>>
      %dma_start3A = arith.constant 0 : i32
      %dma_start3A_12 = tpu.memref_slice %arg6[%arg0, %mul3A_2, %dma_start3A] : memref<2x10240x128xf32, #tpu.memory_space<hbm>> -> memref<1x640x128xf32, #tpu.memory_space<hbm>>
      %dma_start3A_13 = tpu.memref_squeeze %dma_start3A_12 : memref<1x640x128xf32, #tpu.memory_space<hbm>> -> memref<640x128xf32, #tpu.memory_space<hbm>>
      %dma_start3A_14 = arith.constant 0 : i32
      %dma_start3A_15 = tpu.memref_slice %arg7[%mul3A_2, %dma_start3A_14] : memref<10240x128xf32, #tpu.memory_space<vmem_shared>> -> memref<640x128xf32, #tpu.memory_space<vmem_shared>>
      tpu.enqueue_dma source(%dma_start3A_15 : memref<640x128xf32, #tpu.memory_space<vmem_shared>>) target(%dma_start3A_13 : memref<640x128xf32, #tpu.memory_space<hbm>>) target_semaphore(%run_scoped3A : memref<!tpu.dma_semaphore, #tpu.memory_space<semaphore_mem>>)
      %dma_wait3A = arith.constant 0 : i32
      %dma_wait3A_16 = tpu.memref_slice %arg6[%arg0, %mul3A_2, %dma_wait3A] : memref<2x10240x128xf32, #tpu.memory_space<hbm>> -> memref<1x640x128xf32, #tpu.memory_space<hbm>>
      %dma_wait3A_17 = tpu.memref_squeeze %dma_wait3A_16 : memref<1x640x128xf32, #tpu.memory_space<hbm>> -> memref<640x128xf32, #tpu.memory_space<hbm>>
      %dma_wait3A_18 = arith.constant 0 : i32
      %dma_wait3A_19 = tpu.memref_slice %arg7[%mul3A_2, %dma_wait3A_18] : memref<10240x128xf32, #tpu.memory_space<vmem_shared>> -> memref<640x128xf32, #tpu.memory_space<vmem_shared>>
      tpu.wait_dma2 semaphore(%run_scoped3A : memref<!tpu.dma_semaphore, #tpu.memory_space<semaphore_mem>>) src(%dma_wait3A_19 : memref<640x128xf32, #tpu.memory_space<vmem_shared>>) dst(%dma_wait3A_17 : memref<640x128xf32, #tpu.memory_space<hbm>>)
      tpu.yield
    }) : () -> ()
    return
  }
}

#map = affine_map<(d0, d1) -> (0, 0)>
#map1 = affine_map<(d0, d1) -> (0, 0, 0)>
module attributes {stable_mosaic.version = 14 : i64} {
  func.func @_agg_body(%arg0: i32, %arg1: i32, %arg2: memref<10240x128xf32, #tpu.memory_space<hbm>>, %arg3: memref<2560x128xi32, #tpu.memory_space<hbm>>, %arg4: memref<2560x128xi32, #tpu.memory_space<hbm>>, %arg5: memref<10240x128xf32, #tpu.memory_space<hbm>>, %arg6: memref<2x10240x128xf32, #tpu.memory_space<hbm>>, %arg7: memref<10240x128xf32, #tpu.memory_space<vmem_shared>>, %arg8: memref<80x128xi32, #tpu.memory_space<vmem>>, %arg9: memref<80x128xi32, #tpu.memory_space<vmem>>, %arg10: memref<128x128xf32, #tpu.memory_space<vmem>>, %arg11: memref<!tpu.dma_semaphore, #tpu.memory_space<semaphore_mem>>) attributes {dimension_semantics = [#tpu.dimension_semantics<core_parallel>, #tpu.dimension_semantics<subcore_parallel>], iteration_bounds = array<i64: 2, 16>, scalar_prefetch = 0 : i64, scratch_operands = 5 : i64, tpu.core_type = #tpu.core_type<sc_vector_subcore>, window_params = [{transform_indices = #map}, {transform_indices = #map}, {transform_indices = #map}, {transform_indices = #map}, {transform_indices = #map1}]} {
    %mul3A = arith.constant 16 : i32
    %mul3A_0 = arith.muli %arg0, %mul3A : i32
    %add3A = arith.addi %mul3A_0, %arg1 : i32
    %mul3A_1 = arith.constant 640 : i32
    %mul3A_2 = arith.muli %arg1, %mul3A_1 : i32
    "tpu.region"() ({
      %run_scoped3A = tpu.sem_alloc : memref<!tpu.dma_semaphore, #tpu.memory_space<semaphore_mem>>
      %dma_start3A = arith.constant 0 : i32
      %dma_start3A_12 = tpu.memref_slice %arg7[%mul3A_2, %dma_start3A] : memref<10240x128xf32, #tpu.memory_space<vmem_shared>> -> memref<640x128xf32, #tpu.memory_space<vmem_shared>>
      %dma_start3A_13 = arith.constant 0 : i32
      %dma_start3A_14 = tpu.memref_slice %arg5[%mul3A_2, %dma_start3A_13] : memref<10240x128xf32, #tpu.memory_space<hbm>> -> memref<640x128xf32, #tpu.memory_space<hbm>>
      tpu.enqueue_dma source(%dma_start3A_14 : memref<640x128xf32, #tpu.memory_space<hbm>>) target(%dma_start3A_12 : memref<640x128xf32, #tpu.memory_space<vmem_shared>>) target_semaphore(%run_scoped3A : memref<!tpu.dma_semaphore, #tpu.memory_space<semaphore_mem>>)
      %dma_wait3A = arith.constant 0 : i32
      %dma_wait3A_15 = tpu.memref_slice %arg7[%mul3A_2, %dma_wait3A] : memref<10240x128xf32, #tpu.memory_space<vmem_shared>> -> memref<640x128xf32, #tpu.memory_space<vmem_shared>>
      %dma_wait3A_16 = arith.constant 0 : i32
      %dma_wait3A_17 = tpu.memref_slice %arg5[%mul3A_2, %dma_wait3A_16] : memref<10240x128xf32, #tpu.memory_space<hbm>> -> memref<640x128xf32, #tpu.memory_space<hbm>>
      tpu.wait_dma2 semaphore(%run_scoped3A : memref<!tpu.dma_semaphore, #tpu.memory_space<semaphore_mem>>) src(%dma_wait3A_17 : memref<640x128xf32, #tpu.memory_space<hbm>>) dst(%dma_wait3A_15 : memref<640x128xf32, #tpu.memory_space<vmem_shared>>)
      tpu.yield
    }) : () -> ()
    %mul3A_3 = arith.constant 80 : i32
    %mul3A_4 = arith.muli %add3A, %mul3A_3 : i32
    "tpu.region"() ({
      %run_scoped3A = tpu.sem_alloc : memref<!tpu.dma_semaphore, #tpu.memory_space<semaphore_mem>>
      %dma_start3A = arith.constant 0 : i32
      %dma_start3A_12 = tpu.memref_slice %arg3[%mul3A_4, %dma_start3A] : memref<2560x128xi32, #tpu.memory_space<hbm>> -> memref<80x128xi32, #tpu.memory_space<hbm>>
      %dma_start3A_13 = arith.constant 0 : i32
      %dma_start3A_14 = tpu.memref_slice %arg3[%mul3A_4, %dma_start3A_13] : memref<2560x128xi32, #tpu.memory_space<hbm>> -> memref<80x128xi32, #tpu.memory_space<hbm>>
      tpu.enqueue_dma source(%dma_start3A_14 : memref<80x128xi32, #tpu.memory_space<hbm>>) target(%arg8 : memref<80x128xi32, #tpu.memory_space<vmem>>) target_semaphore(%run_scoped3A : memref<!tpu.dma_semaphore, #tpu.memory_space<semaphore_mem>>)
      %dma_wait3A = arith.constant 0 : i32
      %dma_wait3A_15 = tpu.memref_slice %arg3[%mul3A_4, %dma_wait3A] : memref<2560x128xi32, #tpu.memory_space<hbm>> -> memref<80x128xi32, #tpu.memory_space<hbm>>
      %dma_wait3A_16 = arith.constant 0 : i32
      %dma_wait3A_17 = tpu.memref_slice %arg3[%mul3A_4, %dma_wait3A_16] : memref<2560x128xi32, #tpu.memory_space<hbm>> -> memref<80x128xi32, #tpu.memory_space<hbm>>
      tpu.wait_dma2 semaphore(%run_scoped3A : memref<!tpu.dma_semaphore, #tpu.memory_space<semaphore_mem>>) src(%dma_wait3A_17 : memref<80x128xi32, #tpu.memory_space<hbm>>) dst(%arg8 : memref<80x128xi32, #tpu.memory_space<vmem>>)
      tpu.yield
    }) : () -> ()
    %mul3A_5 = arith.constant 80 : i32
    %mul3A_6 = arith.muli %add3A, %mul3A_5 : i32
    "tpu.region"() ({
      %run_scoped3A = tpu.sem_alloc : memref<!tpu.dma_semaphore, #tpu.memory_space<semaphore_mem>>
      %dma_start3A = arith.constant 0 : i32
      %dma_start3A_12 = tpu.memref_slice %arg4[%mul3A_6, %dma_start3A] : memref<2560x128xi32, #tpu.memory_space<hbm>> -> memref<80x128xi32, #tpu.memory_space<hbm>>
      %dma_start3A_13 = arith.constant 0 : i32
      %dma_start3A_14 = tpu.memref_slice %arg4[%mul3A_6, %dma_start3A_13] : memref<2560x128xi32, #tpu.memory_space<hbm>> -> memref<80x128xi32, #tpu.memory_space<hbm>>
      tpu.enqueue_dma source(%dma_start3A_14 : memref<80x128xi32, #tpu.memory_space<hbm>>) target(%arg9 : memref<80x128xi32, #tpu.memory_space<vmem>>) target_semaphore(%run_scoped3A : memref<!tpu.dma_semaphore, #tpu.memory_space<semaphore_mem>>)
      %dma_wait3A = arith.constant 0 : i32
      %dma_wait3A_15 = tpu.memref_slice %arg4[%mul3A_6, %dma_wait3A] : memref<2560x128xi32, #tpu.memory_space<hbm>> -> memref<80x128xi32, #tpu.memory_space<hbm>>
      %dma_wait3A_16 = arith.constant 0 : i32
      %dma_wait3A_17 = tpu.memref_slice %arg4[%mul3A_6, %dma_wait3A_16] : memref<2560x128xi32, #tpu.memory_space<hbm>> -> memref<80x128xi32, #tpu.memory_space<hbm>>
      tpu.wait_dma2 semaphore(%run_scoped3A : memref<!tpu.dma_semaphore, #tpu.memory_space<semaphore_mem>>) src(%dma_wait3A_17 : memref<80x128xi32, #tpu.memory_space<hbm>>) dst(%arg9 : memref<80x128xi32, #tpu.memory_space<vmem>>)
      tpu.yield
    }) : () -> ()
    %barrier3A = arith.constant 0 : index
    tpu.barrier barrier_id(%barrier3A)
    %scan3A = arith.constant 0 : i32
    %scan3A_7 = arith.constant 80 : i32
    %scan3A_8 = arith.addi %scan3A, %scan3A_7 : i32
    %scan3A_9 = arith.constant 1 : i32
    scf.for %scan3A_12 = %scan3A to %scan3A_8 step %scan3A_9  : i32 {
      %mul3A_13 = arith.constant 1 : i32
      %mul3A_14 = arith.muli %scan3A_12, %mul3A_13 : i32
      %add3A_15 = arith.constant 0 : i32
      %add3A_16 = arith.addi %add3A_15, %mul3A_14 : i32
      %dma_start3A = arith.constant 0 : i32
      %dma_start3A_17 = tpu.memref_slice %arg8[%add3A_16, %dma_start3A] : memref<80x128xi32, #tpu.memory_space<vmem>> -> memref<1x128xi32, #tpu.memory_space<vmem>>
      %dma_start3A_18 = tpu.memref_squeeze %dma_start3A_17 : memref<1x128xi32, #tpu.memory_space<vmem>> -> memref<128xi32, #tpu.memory_space<vmem>>
      %dma_start3A_19 = arith.constant 0 : i32
      %dma_start3A_20 = arith.constant 0 : i32
      %dma_start3A_21 = tpu.memref_slice %arg2[%dma_start3A_19, %dma_start3A_20] : memref<10240x128xf32, #tpu.memory_space<hbm>> -> memref<10240x128xf32, #tpu.memory_space<hbm>>
      tpu.enqueue_indirect_dma source(%dma_start3A_21 : memref<10240x128xf32, #tpu.memory_space<hbm>>) target(%arg10 : memref<128x128xf32, #tpu.memory_space<vmem>>) offsets(%dma_start3A_18 : memref<128xi32, #tpu.memory_space<vmem>>) semaphore(%arg11 : memref<!tpu.dma_semaphore, #tpu.memory_space<semaphore_mem>>)
      %dma_wait3A = arith.constant 0 : i32
      %dma_wait3A_22 = tpu.memref_slice %arg8[%add3A_16, %dma_wait3A] : memref<80x128xi32, #tpu.memory_space<vmem>> -> memref<1x128xi32, #tpu.memory_space<vmem>>
      %dma_wait3A_23 = tpu.memref_squeeze %dma_wait3A_22 : memref<1x128xi32, #tpu.memory_space<vmem>> -> memref<128xi32, #tpu.memory_space<vmem>>
      %dma_wait3A_24 = arith.constant 0 : i32
      %dma_wait3A_25 = arith.constant 0 : i32
      %dma_wait3A_26 = tpu.memref_slice %arg2[%dma_wait3A_24, %dma_wait3A_25] : memref<10240x128xf32, #tpu.memory_space<hbm>> -> memref<10240x128xf32, #tpu.memory_space<hbm>>
      tpu.wait_indirect_dma semaphore(%arg11 : memref<!tpu.dma_semaphore, #tpu.memory_space<semaphore_mem>>) src(%dma_wait3A_26 : memref<10240x128xf32, #tpu.memory_space<hbm>>) dst(%arg10 : memref<128x128xf32, #tpu.memory_space<vmem>>)
      "tpu.region"() ({
        %run_scoped3A = tpu.sem_alloc : memref<!tpu.dma_semaphore, #tpu.memory_space<semaphore_mem>>
        %dma_start3A_27 = arith.constant 0 : i32
        %dma_start3A_28 = tpu.memref_slice %arg9[%add3A_16, %dma_start3A_27] : memref<80x128xi32, #tpu.memory_space<vmem>> -> memref<1x128xi32, #tpu.memory_space<vmem>>
        %dma_start3A_29 = tpu.memref_squeeze %dma_start3A_28 : memref<1x128xi32, #tpu.memory_space<vmem>> -> memref<128xi32, #tpu.memory_space<vmem>>
        %dma_start3A_30 = arith.constant 0 : i32
        %dma_start3A_31 = arith.constant 0 : i32
        %dma_start3A_32 = tpu.memref_slice %arg7[%dma_start3A_30, %dma_start3A_31] : memref<10240x128xf32, #tpu.memory_space<vmem_shared>> -> memref<10240x128xf32, #tpu.memory_space<vmem_shared>>
        tpu.enqueue_indirect_dma source(%arg10 : memref<128x128xf32, #tpu.memory_space<vmem>>) target(%dma_start3A_32 : memref<10240x128xf32, #tpu.memory_space<vmem_shared>>) offsets(%dma_start3A_29 : memref<128xi32, #tpu.memory_space<vmem>>) semaphore(%run_scoped3A : memref<!tpu.dma_semaphore, #tpu.memory_space<semaphore_mem>>) {add = true}
        %dma_wait3A_33 = arith.constant 0 : i32
        %dma_wait3A_34 = tpu.memref_slice %arg9[%add3A_16, %dma_wait3A_33] : memref<80x128xi32, #tpu.memory_space<vmem>> -> memref<1x128xi32, #tpu.memory_space<vmem>>
        %dma_wait3A_35 = tpu.memref_squeeze %dma_wait3A_34 : memref<1x128xi32, #tpu.memory_space<vmem>> -> memref<128xi32, #tpu.memory_space<vmem>>
        %dma_wait3A_36 = arith.constant 0 : i32
        %dma_wait3A_37 = arith.constant 0 : i32
        %dma_wait3A_38 = tpu.memref_slice %arg7[%dma_wait3A_36, %dma_wait3A_37] : memref<10240x128xf32, #tpu.memory_space<vmem_shared>> -> memref<10240x128xf32, #tpu.memory_space<vmem_shared>>
        tpu.wait_indirect_dma semaphore(%run_scoped3A : memref<!tpu.dma_semaphore, #tpu.memory_space<semaphore_mem>>) src(%arg10 : memref<128x128xf32, #tpu.memory_space<vmem>>) dst(%dma_wait3A_38 : memref<10240x128xf32, #tpu.memory_space<vmem_shared>>)
        tpu.yield
      }) : () -> ()
    }
    %scan3A_10 = arith.constant 80 : i32
    %barrier3A_11 = arith.constant 0 : index
    tpu.barrier barrier_id(%barrier3A_11)
    "tpu.region"() ({
      %run_scoped3A = tpu.sem_alloc : memref<!tpu.dma_semaphore, #tpu.memory_space<semaphore_mem>>
      %dma_start3A = arith.constant 0 : i32
      %dma_start3A_12 = tpu.memref_slice %arg6[%arg0, %mul3A_2, %dma_start3A] : memref<2x10240x128xf32, #tpu.memory_space<hbm>> -> memref<1x640x128xf32, #tpu.memory_space<hbm>>
      %dma_start3A_13 = tpu.memref_squeeze %dma_start3A_12 : memref<1x640x128xf32, #tpu.memory_space<hbm>> -> memref<640x128xf32, #tpu.memory_space<hbm>>
      %dma_start3A_14 = arith.constant 0 : i32
      %dma_start3A_15 = tpu.memref_slice %arg7[%mul3A_2, %dma_start3A_14] : memref<10240x128xf32, #tpu.memory_space<vmem_shared>> -> memref<640x128xf32, #tpu.memory_space<vmem_shared>>
      tpu.enqueue_dma source(%dma_start3A_15 : memref<640x128xf32, #tpu.memory_space<vmem_shared>>) target(%dma_start3A_13 : memref<640x128xf32, #tpu.memory_space<hbm>>) target_semaphore(%run_scoped3A : memref<!tpu.dma_semaphore, #tpu.memory_space<semaphore_mem>>)
      %dma_wait3A = arith.constant 0 : i32
      %dma_wait3A_16 = tpu.memref_slice %arg6[%arg0, %mul3A_2, %dma_wait3A] : memref<2x10240x128xf32, #tpu.memory_space<hbm>> -> memref<1x640x128xf32, #tpu.memory_space<hbm>>
      %dma_wait3A_17 = tpu.memref_squeeze %dma_wait3A_16 : memref<1x640x128xf32, #tpu.memory_space<hbm>> -> memref<640x128xf32, #tpu.memory_space<hbm>>
      %dma_wait3A_18 = arith.constant 0 : i32
      %dma_wait3A_19 = tpu.memref_slice %arg7[%mul3A_2, %dma_wait3A_18] : memref<10240x128xf32, #tpu.memory_space<vmem_shared>> -> memref<640x128xf32, #tpu.memory_space<vmem_shared>>
      tpu.wait_dma2 semaphore(%run_scoped3A : memref<!tpu.dma_semaphore, #tpu.memory_space<semaphore_mem>>) src(%dma_wait3A_19 : memref<640x128xf32, #tpu.memory_space<vmem_shared>>) dst(%dma_wait3A_17 : memref<640x128xf32, #tpu.memory_space<hbm>>)
      tpu.yield
    }) : () -> ()
    return
  }
}

module attributes {stable_mosaic.version = 14 : i64} {
  func.func @_prep_body(%arg0: i32, %arg1: memref<2x512x128xf32, #tpu.memory_space<vmem>>, %arg2: memref<512x128xf32, #tpu.memory_space<vmem>>, %arg3: memref<512x8xf32, #tpu.memory_space<vmem>>, %arg4: memref<512x128xf32, #tpu.memory_space<vmem>>) attributes {dimension_semantics = [#tpu.dimension_semantics<arbitrary>], iteration_bounds = array<i64: 20>, scalar_prefetch = 0 : i64, scratch_operands = 0 : i64, tpu.core_type = #tpu.core_type<tc>, window_params = [{transform_indices = @transform_0, window_bounds = array<i64: 2, 512, 128>}, {transform_indices = @transform_1, window_bounds = array<i64: 512, 128>}, {transform_indices = @transform_2, window_bounds = array<i64: 512, 8>}, {transform_indices = @transform_3, window_bounds = array<i64: 512, 128>}]} {
    %get3A = arith.constant 0 : index
    %get3A_0 = arith.constant 0 : index
    %get3A_1 = arith.constant 0 : index
    %get3A_2 = vector.load %arg1[%get3A, %get3A_0, %get3A_1] : memref<2x512x128xf32, #tpu.memory_space<vmem>>, vector<1x512x1xf32>
    %get3A_3 = vector.shape_cast %get3A_2 : vector<1x512x1xf32> to vector<512x1xf32>
    %get3A_4 = arith.constant 1 : index
    %get3A_5 = arith.constant 0 : index
    %get3A_6 = arith.constant 0 : index
    %get3A_7 = vector.load %arg1[%get3A_4, %get3A_5, %get3A_6] : memref<2x512x128xf32, #tpu.memory_space<vmem>>, vector<1x512x1xf32>
    %get3A_8 = vector.shape_cast %get3A_7 : vector<1x512x1xf32> to vector<512x1xf32>
    %add3A = arith.addf %get3A_3, %get3A_8 : vector<512x1xf32>
    %add3A_9 = arith.constant 1.000000e+00 : f32
    %add3A_10 = vector.broadcast %add3A_9 : f32 to vector<512x1xf32>
    %add3A_11 = arith.addf %add3A, %add3A_10 : vector<512x1xf32>
    %rsqrt3A = math.rsqrt %add3A_11 : vector<512x1xf32>
    %broadcast_in_dim3A = vector.shape_cast %rsqrt3A : vector<512x1xf32> to vector<512x1xf32>
    %broadcast_in_dim3A_12 = vector.broadcast %broadcast_in_dim3A : vector<512x1xf32> to vector<512x8xf32>
    %swap3A = arith.constant 0 : index
    %swap3A_13 = arith.constant 0 : index
    %swap3A_14 = vector.load %arg3[%swap3A, %swap3A_13] : memref<512x8xf32, #tpu.memory_space<vmem>>, vector<512x8xf32>
    tpu.vector_store %arg3[%swap3A, %swap3A_13], %broadcast_in_dim3A_12 {strides = array<i32>} : memref<512x8xf32, #tpu.memory_space<vmem>>, vector<512x8xf32>,
    %get3A_15 = arith.constant 0 : index
    %get3A_16 = arith.constant 0 : index
    %get3A_17 = vector.load %arg2[%get3A_15, %get3A_16] : memref<512x128xf32, #tpu.memory_space<vmem>>, vector<512x128xf32>
    %mul3A = vector.broadcast %rsqrt3A : vector<512x1xf32> to vector<512x128xf32>
    %mul3A_18 = arith.mulf %get3A_17, %mul3A : vector<512x128xf32>
    %swap3A_19 = arith.constant 0 : index
    %swap3A_20 = arith.constant 0 : index
    %swap3A_21 = vector.load %arg4[%swap3A_19, %swap3A_20] : memref<512x128xf32, #tpu.memory_space<vmem>>, vector<512x128xf32>
    tpu.vector_store %arg4[%swap3A_19, %swap3A_20], %mul3A_18 {strides = array<i32>} : memref<512x128xf32, #tpu.memory_space<vmem>>, vector<512x128xf32>,
    return
  }
  func.func @transform_0(%arg0: i32) -> (i32, i32, i32) {
    %c0_i32 = arith.constant 0 : i32
    %c0_i32_0 = arith.constant 0 : i32
    %c0_i32_1 = arith.constant 0 : i32
    return %c0_i32, %arg0, %c0_i32_0 : i32, i32, i32
  }
  func.func @transform_1(%arg0: i32) -> (i32, i32) {
    %c0_i32 = arith.constant 0 : i32
    %c0_i32_0 = arith.constant 0 : i32
    return %arg0, %c0_i32 : i32, i32
  }
  func.func @transform_2(%arg0: i32) -> (i32, i32) {
    %c0_i32 = arith.constant 0 : i32
    %c0_i32_0 = arith.constant 0 : i32
    return %arg0, %c0_i32 : i32, i32
  }
  func.func @transform_3(%arg0: i32) -> (i32, i32) {
    %c0_i32 = arith.constant 0 : i32
    %c0_i32_0 = arith.constant 0 : i32
    return %arg0, %c0_i32 : i32, i32
  }
}

module attributes {stable_mosaic.version = 14 : i64} {
  func.func @_layer_body(%arg0: i32, %arg1: memref<2x512x128xf32, #tpu.memory_space<vmem>>, %arg2: memref<512x128xf32, #tpu.memory_space<vmem>>, %arg3: memref<512x8xf32, #tpu.memory_space<vmem>>, %arg4: memref<128x128xf32, #tpu.memory_space<vmem>>, %arg5: memref<1x128xf32, #tpu.memory_space<vmem>>, %arg6: memref<1x128xf32, #tpu.memory_space<vmem>>, %arg7: memref<512x128xf32, #tpu.memory_space<vmem>>) attributes {dimension_semantics = [#tpu.dimension_semantics<arbitrary>], iteration_bounds = array<i64: 20>, scalar_prefetch = 0 : i64, scratch_operands = 0 : i64, tpu.core_type = #tpu.core_type<tc>, window_params = [{transform_indices = @transform_0, window_bounds = array<i64: 2, 512, 128>}, {transform_indices = @transform_1, window_bounds = array<i64: 512, 128>}, {transform_indices = @transform_2, window_bounds = array<i64: 512, 8>}, {pipeline_mode = #tpu.pipeline_mode<synchronous>, transform_indices = @transform_3, window_bounds = array<i64: 128, 128>}, {pipeline_mode = #tpu.pipeline_mode<synchronous>, transform_indices = @transform_4, window_bounds = array<i64: 1, 128>}, {pipeline_mode = #tpu.pipeline_mode<synchronous>, transform_indices = @transform_5, window_bounds = array<i64: 1, 128>}, {transform_indices = @transform_6, window_bounds = array<i64: 512, 128>}]} {
    %get3A = arith.constant 0 : index
    %get3A_0 = arith.constant 0 : index
    %get3A_1 = vector.load %arg3[%get3A, %get3A_0] : memref<512x8xf32, #tpu.memory_space<vmem>>, vector<512x1xf32>
    %get3A_2 = arith.constant 0 : index
    %get3A_3 = arith.constant 0 : index
    %get3A_4 = arith.constant 0 : index
    %get3A_5 = vector.load %arg1[%get3A_2, %get3A_3, %get3A_4] : memref<2x512x128xf32, #tpu.memory_space<vmem>>, vector<1x512x128xf32>
    %get3A_6 = vector.shape_cast %get3A_5 : vector<1x512x128xf32> to vector<512x128xf32>
    %get3A_7 = arith.constant 1 : index
    %get3A_8 = arith.constant 0 : index
    %get3A_9 = arith.constant 0 : index
    %get3A_10 = vector.load %arg1[%get3A_7, %get3A_8, %get3A_9] : memref<2x512x128xf32, #tpu.memory_space<vmem>>, vector<1x512x128xf32>
    %get3A_11 = vector.shape_cast %get3A_10 : vector<1x512x128xf32> to vector<512x128xf32>
    %add3A = arith.addf %get3A_6, %get3A_11 : vector<512x128xf32>
    %get3A_12 = arith.constant 0 : index
    %get3A_13 = arith.constant 0 : index
    %get3A_14 = vector.load %arg2[%get3A_12, %get3A_13] : memref<512x128xf32, #tpu.memory_space<vmem>>, vector<512x128xf32>
    %add3A_15 = arith.addf %add3A, %get3A_14 : vector<512x128xf32>
    %mul3A = vector.broadcast %get3A_1 : vector<512x1xf32> to vector<512x128xf32>
    %mul3A_16 = arith.mulf %add3A_15, %mul3A : vector<512x128xf32>
    %get3A_17 = arith.constant 0 : index
    %get3A_18 = arith.constant 0 : index
    %get3A_19 = vector.load %arg4[%get3A_17, %get3A_18] : memref<128x128xf32, #tpu.memory_space<vmem>>, vector<128x128xf32>
    %dot_general3A = arith.constant dense<0.000000e+00> : vector<512x128xf32>
    %dot_general3A_20 = tpu.matmul %mul3A_16, %get3A_19, %dot_general3A {dimension_numbers = #tpu.dot_dimension_numbers<[1], [0], [0], [1], [0, 0, 1, 1], [], []>, transpose_lhs_hint = false} : vector<512x128xf32>, vector<128x128xf32>, vector<512x128xf32> -> vector<512x128xf32>
    %get3A_21 = arith.constant 0 : index
    %get3A_22 = arith.constant 0 : index
    %get3A_23 = vector.load %arg5[%get3A_21, %get3A_22] : memref<1x128xf32, #tpu.memory_space<vmem>>, vector<1x128xf32>
    %mul3A_24 = vector.broadcast %get3A_23 : vector<1x128xf32> to vector<512x128xf32>
    %mul3A_25 = arith.mulf %dot_general3A_20, %mul3A_24 : vector<512x128xf32>
    %get3A_26 = arith.constant 0 : index
    %get3A_27 = arith.constant 0 : index
    %get3A_28 = vector.load %arg6[%get3A_26, %get3A_27] : memref<1x128xf32, #tpu.memory_space<vmem>>, vector<1x128xf32>
    %add3A_29 = vector.broadcast %get3A_28 : vector<1x128xf32> to vector<512x128xf32>
    %add3A_30 = arith.addf %mul3A_25, %add3A_29 : vector<512x128xf32>
    %max3A = arith.constant 0.000000e+00 : f32
    %max3A_31 = vector.broadcast %max3A : f32 to vector<512x128xf32>
    %max3A_32 = arith.maximumf %add3A_30, %max3A_31 : vector<512x128xf32>
    %mul3A_33 = vector.broadcast %get3A_1 : vector<512x1xf32> to vector<512x128xf32>
    %mul3A_34 = arith.mulf %max3A_32, %mul3A_33 : vector<512x128xf32>
    %swap3A = arith.constant 0 : index
    %swap3A_35 = arith.constant 0 : index
    %swap3A_36 = vector.load %arg7[%swap3A, %swap3A_35] : memref<512x128xf32, #tpu.memory_space<vmem>>, vector<512x128xf32>
    tpu.vector_store %arg7[%swap3A, %swap3A_35], %mul3A_34 {strides = array<i32>} : memref<512x128xf32, #tpu.memory_space<vmem>>, vector<512x128xf32>,
    return
  }
  func.func @transform_0(%arg0: i32) -> (i32, i32, i32) {
    %c0_i32 = arith.constant 0 : i32
    %c0_i32_0 = arith.constant 0 : i32
    %c0_i32_1 = arith.constant 0 : i32
    return %c0_i32, %arg0, %c0_i32_0 : i32, i32, i32
  }
  func.func @transform_1(%arg0: i32) -> (i32, i32) {
    %c0_i32 = arith.constant 0 : i32
    %c0_i32_0 = arith.constant 0 : i32
    return %arg0, %c0_i32 : i32, i32
  }
  func.func @transform_2(%arg0: i32) -> (i32, i32) {
    %c0_i32 = arith.constant 0 : i32
    %c0_i32_0 = arith.constant 0 : i32
    return %arg0, %c0_i32 : i32, i32
  }
  func.func @transform_3(%arg0: i32) -> (i32, i32) {
    %c0_i32 = arith.constant 0 : i32
    %c0_i32_0 = arith.constant 0 : i32
    %c0_i32_1 = arith.constant 0 : i32
    return %c0_i32, %c0_i32_0 : i32, i32
  }
  func.func @transform_4(%arg0: i32) -> (i32, i32) {
    %c0_i32 = arith.constant 0 : i32
    %c0_i32_0 = arith.constant 0 : i32
    %c0_i32_1 = arith.constant 0 : i32
    return %c0_i32, %c0_i32_0 : i32, i32
  }
  func.func @transform_5(%arg0: i32) -> (i32, i32) {
    %c0_i32 = arith.constant 0 : i32
    %c0_i32_0 = arith.constant 0 : i32
    %c0_i32_1 = arith.constant 0 : i32
    return %c0_i32, %c0_i32_0 : i32, i32
  }
  func.func @transform_6(%arg0: i32) -> (i32, i32) {
    %c0_i32 = arith.constant 0 : i32
    %c0_i32_0 = arith.constant 0 : i32
    return %arg0, %c0_i32 : i32, i32
  }
}

module attributes {stable_mosaic.version = 14 : i64} {
  func.func @_final_body(%arg0: i32, %arg1: memref<2x512x128xf32, #tpu.memory_space<vmem>>, %arg2: memref<512x128xf32, #tpu.memory_space<vmem>>, %arg3: memref<512x8xf32, #tpu.memory_space<vmem>>, %arg4: memref<128x40xf32, #tpu.memory_space<vmem>>, %arg5: memref<1x40xf32, #tpu.memory_space<vmem>>, %arg6: memref<512x40xf32, #tpu.memory_space<vmem>>) attributes {dimension_semantics = [#tpu.dimension_semantics<arbitrary>], iteration_bounds = array<i64: 20>, scalar_prefetch = 0 : i64, scratch_operands = 0 : i64, tpu.core_type = #tpu.core_type<tc>, window_params = [{transform_indices = @transform_0, window_bounds = array<i64: 2, 512, 128>}, {transform_indices = @transform_1, window_bounds = array<i64: 512, 128>}, {transform_indices = @transform_2, window_bounds = array<i64: 512, 8>}, {pipeline_mode = #tpu.pipeline_mode<synchronous>, transform_indices = @transform_3, window_bounds = array<i64: 128, 40>}, {pipeline_mode = #tpu.pipeline_mode<synchronous>, transform_indices = @transform_4, window_bounds = array<i64: 1, 40>}, {transform_indices = @transform_5, window_bounds = array<i64: 512, 40>}]} {
    %get3A = arith.constant 0 : index
    %get3A_0 = arith.constant 0 : index
    %get3A_1 = vector.load %arg3[%get3A, %get3A_0] : memref<512x8xf32, #tpu.memory_space<vmem>>, vector<512x1xf32>
    %get3A_2 = arith.constant 0 : index
    %get3A_3 = arith.constant 0 : index
    %get3A_4 = arith.constant 0 : index
    %get3A_5 = vector.load %arg1[%get3A_2, %get3A_3, %get3A_4] : memref<2x512x128xf32, #tpu.memory_space<vmem>>, vector<1x512x128xf32>
    %get3A_6 = vector.shape_cast %get3A_5 : vector<1x512x128xf32> to vector<512x128xf32>
    %get3A_7 = arith.constant 1 : index
    %get3A_8 = arith.constant 0 : index
    %get3A_9 = arith.constant 0 : index
    %get3A_10 = vector.load %arg1[%get3A_7, %get3A_8, %get3A_9] : memref<2x512x128xf32, #tpu.memory_space<vmem>>, vector<1x512x128xf32>
    %get3A_11 = vector.shape_cast %get3A_10 : vector<1x512x128xf32> to vector<512x128xf32>
    %add3A = arith.addf %get3A_6, %get3A_11 : vector<512x128xf32>
    %get3A_12 = arith.constant 0 : index
    %get3A_13 = arith.constant 0 : index
    %get3A_14 = vector.load %arg2[%get3A_12, %get3A_13] : memref<512x128xf32, #tpu.memory_space<vmem>>, vector<512x128xf32>
    %add3A_15 = arith.addf %add3A, %get3A_14 : vector<512x128xf32>
    %mul3A = vector.broadcast %get3A_1 : vector<512x1xf32> to vector<512x128xf32>
    %mul3A_16 = arith.mulf %add3A_15, %mul3A : vector<512x128xf32>
    %get3A_17 = arith.constant 0 : index
    %get3A_18 = arith.constant 0 : index
    %get3A_19 = vector.load %arg4[%get3A_17, %get3A_18] : memref<128x40xf32, #tpu.memory_space<vmem>>, vector<128x40xf32>
    %dot_general3A = arith.constant dense<0.000000e+00> : vector<512x40xf32>
    %dot_general3A_20 = tpu.matmul %mul3A_16, %get3A_19, %dot_general3A {dimension_numbers = #tpu.dot_dimension_numbers<[1], [0], [0], [1], [0, 0, 1, 1], [], []>, transpose_lhs_hint = false} : vector<512x128xf32>, vector<128x40xf32>, vector<512x40xf32> -> vector<512x40xf32>
    %get3A_21 = arith.constant 0 : index
    %get3A_22 = arith.constant 0 : index
    %get3A_23 = vector.load %arg5[%get3A_21, %get3A_22] : memref<1x40xf32, #tpu.memory_space<vmem>>, vector<1x40xf32>
    %add3A_24 = vector.broadcast %get3A_23 : vector<1x40xf32> to vector<512x40xf32>
    %add3A_25 = arith.addf %dot_general3A_20, %add3A_24 : vector<512x40xf32>
    %reduce_max3A = arith.constant dense<0xFF800000> : vector<512xf32>
    %reduce_max3A_26 = vector.multi_reduction <maximumf>, %add3A_25, %reduce_max3A [1] : vector<512x40xf32> to vector<512xf32>
    %broadcast_in_dim3A = vector.shape_cast %reduce_max3A_26 : vector<512xf32> to vector<512x1xf32>
    %sub3A = vector.broadcast %broadcast_in_dim3A : vector<512x1xf32> to vector<512x40xf32>
    %sub3A_27 = arith.subf %add3A_25, %sub3A : vector<512x40xf32>
    %exp3A = math.exp %sub3A_27 : vector<512x40xf32>
    %reduce_sum3A = arith.constant dense<0.000000e+00> : vector<512xf32>
    %reduce_sum3A_28 = vector.multi_reduction <add>, %exp3A, %reduce_sum3A [1] : vector<512x40xf32> to vector<512xf32>
    %broadcast_in_dim3A_29 = vector.shape_cast %reduce_sum3A_28 : vector<512xf32> to vector<512x1xf32>
    %log3A = math.log %broadcast_in_dim3A_29 : vector<512x1xf32>
    %sub3A_30 = vector.broadcast %log3A : vector<512x1xf32> to vector<512x40xf32>
    %sub3A_31 = arith.subf %sub3A_27, %sub3A_30 : vector<512x40xf32>
    %swap3A = arith.constant 0 : index
    %swap3A_32 = arith.constant 0 : index
    %swap3A_33 = vector.load %arg6[%swap3A, %swap3A_32] : memref<512x40xf32, #tpu.memory_space<vmem>>, vector<512x40xf32>
    tpu.vector_store %arg6[%swap3A, %swap3A_32], %sub3A_31 {strides = array<i32>} : memref<512x40xf32, #tpu.memory_space<vmem>>, vector<512x40xf32>,
    return
  }
  func.func @transform_0(%arg0: i32) -> (i32, i32, i32) {
    %c0_i32 = arith.constant 0 : i32
    %c0_i32_0 = arith.constant 0 : i32
    %c0_i32_1 = arith.constant 0 : i32
    return %c0_i32, %arg0, %c0_i32_0 : i32, i32, i32
  }
  func.func @transform_1(%arg0: i32) -> (i32, i32) {
    %c0_i32 = arith.constant 0 : i32
    %c0_i32_0 = arith.constant 0 : i32
    return %arg0, %c0_i32 : i32, i32
  }
  func.func @transform_2(%arg0: i32) -> (i32, i32) {
    %c0_i32 = arith.constant 0 : i32
    %c0_i32_0 = arith.constant 0 : i32
    return %arg0, %c0_i32 : i32, i32
  }
  func.func @transform_3(%arg0: i32) -> (i32, i32) {
    %c0_i32 = arith.constant 0 : i32
    %c0_i32_0 = arith.constant 0 : i32
    %c0_i32_1 = arith.constant 0 : i32
    return %c0_i32, %c0_i32_0 : i32, i32
  }
  func.func @transform_4(%arg0: i32) -> (i32, i32) {
    %c0_i32 = arith.constant 0 : i32
    %c0_i32_0 = arith.constant 0 : i32
    %c0_i32_1 = arith.constant 0 : i32
    return %c0_i32, %c0_i32_0 : i32, i32
  }
  func.func @transform_5(%arg0: i32) -> (i32, i32) {
    %c0_i32 = arith.constant 0 : i32
    %c0_i32_0 = arith.constant 0 : i32
    return %arg0, %c0_i32 : i32, i32
  }
}

</mosaic_0001>

<sc_bundles>
// kernel: kernel.10.cloned.1.call-start
scs
__scs_entry_jumppad:
0x0: {  	(pc) =	sbr.rel $0x88, $3  }
0x1: {  	(tag) =	ssettag $0x0;
	lr =	simm.s32 $0x1  }
0x2: {  	[smem:$0x3F95] =	sst lr;
	_ =	strace $0xD0000000  }
0x3: {  	_ = 	snop  }
0x4: {  	_ = 	snop  }
0x5: {  	_ = 	snop  }
0x6: {  	_ = 	snop  }
0x7: {  	_ = 	snop  }
__scs_overlays_trampoline_lowered:
0x8: {  	[smem:$0x3FA4] =	sst s0  }
0x9: {  	[smem:$0x3FA5] =	sst s1  }
0xa: {  	[smem:$0x3FA6] =	sst s2  }
0xb: {  	[smem:$0x3FA7] =	sst s3  }
0xc: {  	[smem:$0x3FA8] =	sst s4  }
0xd: {  	[smem:$0x3FA9] =	sst s5  }
0xe: {  	[smem:$0x3FAA] =	sst s6  }
0xf: {  	[smem:$0x3FAB] =	sst s7  }
0x10: {  	[smem:$0x3FAC] =	sst s8  }
0x11: {  	[smem:$0x3FAD] =	sst s9;
	s0 =	simm.s32 @!p0 $0x0  }
0x12: {  	s1 =	sld [smem:$0x3F93];
	s0 =	simm.s32 @p0 $0x1  }
0x13: {  	[smem:$0x3FAE] =	sst s0;
	s0 =	simm.s32 @!p1 $0x0  }
0x14: {  	s2 =	sld [smem:$0x3F92];
	s0 =	simm.s32 @p1 $0x1  }
0x15: {  	[smem:$0x3FAF] =	sst s0;
	s0 =	simm.s32 @!p2 $0x0  }
0x16: {  	s3 =	sld [smem:$0x3FDB];
	s0 =	simm.s32 @p2 $0x1  }
0x17: {  	s4 =	simm.s32 $0x1BF5;
	[smem:$0x3FB1] =	sst s0  }
0x18: {  	s0 =	sld [smem:$0x3F94];
	_ =	swait.ge [sflag:s4], $0x0  }
0x19: {  	s7 =	sld [smem:$0x3F95]  }
0x1a: {  	s8 =	sadd.s32 $0xFFFFE003, lr  }
0x1b: {  	s9 =	sadd.s32 $0xFFFFFEF7, lr;
	s5 =	simm.s32 $0xFFFFFFFF;
	p2 =	slt.u32 s8, $0xFFFFF086  }
0x1c: {  	p1 =	slt.u32 s9, $0xF7A;
	s5 =	simm.s32 @!p2 $0x0  }
0x1d: {  	s5 =	simm.s32 @p1 $0x1;
	p0 =	seq.s32 s7, s2  }
0x1e: {  	s7 =	smul.u32 @!p0 $0xF7A, s2;
	p2 =	seq.s32 @!p0 s5, $0x0  }
0x1f: {  	s9 =	smul.u32 $0xF7A, s1;
	s8 =	simm.s32 @!p0 $0x1BF5;
	p2 =	por !p2, p0  }
0x20: {  	[sflag:s8] =	ssyncset.s32 @!p0 $0xFFFFF086;
	s6 =	sadd.s32 @!p0 s3, s7;
	s7 =	simm.s32 @!p0 $0x108  }
0x21: {  	s3 =	sadd.s32 s3, s9;
	s6 =	sadd.s32 @!p0 $0x88, s6;
	s7 =	simm.s32 @p2 $0x1082  }
0x22: {  	[simem:s7], [sflag:s8] =	dma.local @!p0 [hbm:s6], $0xF7A  }
0x23: {  	s9 =	sor.u32 $0xD0000000, s2;
	s6 =	simm.s32 $0x108;
	_ =	swait.ge @!p0 [sflag:s8], $0x0  }
0x24: {  	s3 =	sadd.s32 $0x88, s3;
	s6 =	simm.s32 @!p1 $0x1082;
	[sflag:s4] =	ssyncset.s32 $0xFFFFF086  }
0x25: {  	[simem:s6], [sflag:s4] =	dma.local [hbm:s3], $0xF7A  }
0x26: {  	[smem:$0x3F95] =	sst s1;
	(tag) =	ssettag s2;
	_ =	strace s9  }
0x27: {  	s1 =	sld [smem:$0x3FA5]  }
0x28: {  	s2 =	sld [smem:$0x3FA6]  }
0x29: {  	s4 =	sld [smem:$0x3FA8]  }
0x2a: {  	p0 =	seq.s32 s5, $0x0;
	s5 =	sld [smem:$0x3FA9]  }
0x2b: {  	s6 =	sld [smem:$0x3FAA]  }
0x2c: {  	s7 =	sld [smem:$0x3FAB]  }
0x2d: {  	s3 =	simm.s32 $0x108;
	s8 =	sld [smem:$0x3FAC]  }
0x2e: {  	s3 =	simm.s32 @!p0 $0x1082;
	s9 =	sld [smem:$0x3FAD]  }
0x2f: {  	lr =	sadd.s32 s0, s3;
	s0 =	sld [smem:$0x3FA4]  }
0x30: {  	s3 =	sld [smem:$0x3FA7]  }
0x31: {  	[smem:$0x3FB0] =	sst s10  }
0x32: {  	s10 =	sld [smem:$0x3FAE];
	_ =	sdelay $0x3  }
0x33: {  	p0 =	seq.s32 s10, $0x1;
	s10 =	sld [smem:$0x3FB0];
	_ =	sdelay $0x3  }
0x34: {  	[smem:$0x3FB0] =	sst s10  }
0x35: {  	s10 =	sld [smem:$0x3FAF];
	_ =	sdelay $0x3  }
0x36: {  	p1 =	seq.s32 s10, $0x1;
	s10 =	sld [smem:$0x3FB0];
	_ =	sdelay $0x3  }
0x37: {  	[smem:$0x3FB0] =	sst s10  }
0x38: {  	s10 =	sld [smem:$0x3FB1]  }
0x39: {  	_ = 	snop;
	(pc) =	sbr.ind lr, $3  }
0x3a: {  	_ = 	snop  }
0x3b: {  	_ = 	snop  }
0x3c: {  	p2 =	seq.s32 s10, $0x1;
	s10 =	sld [smem:$0x3FB0]  }
0x3d: {  	_ =	shalt  }
0x3e: {  	_ =	shalt  }
0x3f: {  	_ =	shalt  }
0x40: {  	_ =	shalt  }
0x41: {  	_ =	shalt  }
0x42: {  	_ =	shalt  }
0x43: {  	_ =	shalt  }
0x44: {  	_ =	shalt  }
0x45: {  	_ =	shalt  }
0x46: {  	_ =	shalt  }
0x47: {  	_ =	shalt  }
0x48: {  	_ =	shalt  }
0x49: {  	_ =	shalt  }
0x4a: {  	_ =	shalt  }
0x4b: {  	_ =	shalt  }
0x4c: {  	_ =	shalt  }
0x4d: {  	_ =	shalt  }
0x4e: {  	_ =	shalt  }
0x4f: {  	_ =	shalt  }
0x50: {  	_ =	shalt  }
0x51: {  	_ =	shalt  }
0x52: {  	_ =	shalt  }
0x53: {  	_ =	shalt  }
0x54: {  	_ =	shalt  }
0x55: {  	_ =	shalt  }
0x56: {  	_ =	shalt  }
0x57: {  	_ =	shalt  }
0x58: {  	_ =	shalt  }
0x59: {  	_ =	shalt  }
0x5a: {  	_ =	shalt  }
0x5b: {  	_ =	shalt  }
0x5c: {  	_ =	shalt  }
0x5d: {  	_ =	shalt  }
0x5e: {  	_ =	shalt  }
0x5f: {  	_ =	shalt  }
0x60: {  	_ =	shalt  }
0x61: {  	_ =	shalt  }
0x62: {  	_ =	shalt  }
0x63: {  	_ =	shalt  }
0x64: {  	_ =	shalt  }
0x65: {  	_ =	shalt  }
0x66: {  	_ =	shalt  }
0x67: {  	_ =	shalt  }
0x68: {  	_ =	shalt  }
0x69: {  	_ =	shalt  }
0x6a: {  	_ =	shalt  }
0x6b: {  	_ =	shalt  }
0x6c: {  	_ =	shalt  }
0x6d: {  	_ =	shalt  }
0x6e: {  	_ =	shalt  }
0x6f: {  	_ =	shalt  }
0x70: {  	_ =	shalt  }
0x71: {  	_ =	shalt  }
0x72: {  	_ =	shalt  }
0x73: {  	_ =	shalt  }
0x74: {  	_ =	shalt  }
0x75: {  	_ =	shalt  }
0x76: {  	_ =	shalt  }
0x77: {  	_ =	shalt  }
0x78: {  	_ =	shalt  }
0x79: {  	_ =	shalt  }
0x7a: {  	_ =	shalt  }
0x7b: {  	_ =	shalt  }
0x7c: {  	_ =	shalt  }
0x7d: {  	_ =	shalt  }
0x7e: {  	_ =	shalt  }
0x7f: {  	_ =	shalt  }
0x80: {  	_ =	shalt  }
0x81: {  	_ =	shalt  }
0x82: {  	_ =	shalt  }
0x83: {  	_ =	shalt  }
0x84: {  	_ =	shalt  }
0x85: {  	_ =	shalt  }
0x86: {  	_ =	shalt  }
0x87: {  	_ =	shalt  }
.Lfunc_end0:
.L_simem_size_0:
called_computation_lowered:
.L_overlay_start_0:
0x88: {  	s2 =	sld [smem:$0x3FD9]  }
0x89: {  	s3 =	sld [smem:$0x3FFE];
	_ =	sdelay $0x1  }
0x8a: {  	s1 =	srdreg.scid  }
0x8b: {  	s0 =	sand.u32 $0x1, s1  }
0x8c: {  	s16 =	sshll.u32 s0, $0xA;
	s2 =	sadd.s32 s3, s2  }
0x8d: {  	s2 =	sadd.s32 s2, s16  }
0x8e: {  	[smem:$0x3FBC] =	sst s2  }
0x8f: {  	_ = 	snop  }
0x90: {  	(tm) =	ssettm $0x1  }
0x91: {  	s17 =	sld [smem:$0x3FFB];
	_ =	sdelay $0x3  }
0x92: {  	_ =	strace s17  }
0x93: {  	s2 =	sld [smem:$0x3FFC];
	_ =	sdelay $0x3  }
0x94: {  	_ =	strace s2  }
0x95: {  	s2 =	sld [smem:$0x3FFD];
	_ =	sdelay $0x3  }
0x96: {  	_ =	strace s2  }
0x97: {  	_ =	strace $0x8FFFFFFF  }
0x98: {  	s18 =	sld [smem:$0x3FDB];
	_ =	sdelay $0x1  }
0x99: {  	s19 =	simm.s32 $_scs_section_size  }
0x9a: {  	s4 =	simm.s32 $_size__tile_overlayer_lowered;
	s5 =	simm.s32 $_tile_overlayer_lowered  }
0x9b: {  	s22 =	simm.s32 $0x1BFF;
	s21 =	sshll.u32 s5, $0x1;
	s2 =	sadd.s32 s19, s18  }
0x9c: {  	s6 =	simm.s32 $0x0;
	s20 =	sshll.u32 s4, $0x1;
	s4 =	sadd.s32 s21, s2  }
0x9d: {  	[timem:s6], [sflag:s22] =	dma.local [hbm:s4], s20  }
0x9e: {  	_ =	swait.ge [sflag:s22], s20  }
0x9f: {  	s3 =	ssub.s32 $0x0, s20;
	[sflag:s22] =	ssyncset.done $0x0  }
0xa0: {  	[sflag:s22] =	ssyncadd.s32 s3;
	_ =	sdelay $0x1  }
0xa1: {  	s23 =	simm.s32 $0x1B8B  }
0xa2: {  	_ =	swait.ge [sflag:s23], $0x1  }
0xa3: {  	[sflag:s23] =	ssyncset.done $0x0  }
0xa4: {  	s25 =	simm.s32 $0x1B8E;
	s24 =	sld [smem:$0x3FFE];
	[sflag:s23] =	ssyncadd.s32 $0xFFFFFFFF  }
0xa5: {  	s26 =	simm.s32 $execute0_lowered;
	[smem:$0x3FD2] =	sst s25  }
0xa6: {  	s4 =	sshll.u32 s26, $0x1;
	_ =	strace $0x80000046;
	[dreg:$0x1] =	wrdreg $0xFFFFFFFF  }
0xa7: {  	s28 =	simm.s32 $_size_execute0_lowered;
	s2 =	sadd.s32 s2, s4;
	[dreg:$0x0] =	wrdreg $0x0  }
0xa8: {  	s4 =	sshll.u32 s28, $0x1;
	[dreg:$0x2] =	wrdreg s2  }
0xa9: {  	[dreg:$0x3] =	wrdreg s4  }
0xaa: {  	[dreg:$0x4] =	wrdreg $0xC0  }
0xab: {  	_ =	task [dreg:s6], $0x5FFFF  }
0xac: {  	[dreg:$0x1] =	wrdreg $0xFFFFFFFF  }
0xad: {  	[dreg:$0x0] =	wrdreg $0x60  }
0xae: {  	[dreg:$0x2] =	wrdreg s24  }
0xaf: {  	[dreg:$0x3] =	wrdreg $0x0  }
0xb0: {  	[dreg:$0x4] =	wrdreg $0x9  }
0xb1: {  	_ =	task.clear_ibuf [dreg:s6], $0x5FFFF;
	_ =	strace $0x90000046  }
0xb2: {  	s29 =	simm.s32 $0x9;
	_ =	strace $0x80000048  }
0xb3: {  	_ =	swait.ge [sflag:s29], $0x1  }
0xb4: {  	[sflag:s29] =	ssyncadd.s32 $0xFFFFFFFF  }
0xb5: {  	_ =	strace $0x90000048  }
0xb6: {  	_ =	sfence  }
0xb7: {  	s30 =	sld [smem:$0x0];
	_ =	sdelay $0x2  }
0xb8: {  	s31 =	sshll.u32 s1, $0xD;
	s1 =	sshrl.u32 s1, $0x2  }
0xb9: {  	s3 =	sand.u32 $0x4000, s31;
	s1 =	sadd.s32 s1, s30  }
0xba: {  	s0 =	sor.u32 s3, s0;
	s1 =	sshll.u32 s1, $0x11  }
0xbb: {  	s0 =	sor.u32 s1, s0  }
0xbc: {  	s0 =	sadd.s32 $0x8F2B, s0  }
0xbd: {  	[sflag:s0] =	ssyncadd.remote.s32 $0x1  }
0xbe: {  	_ =	sfence.sel $0xFFFF  }
0xbf: {  	[dreg:$0x0] =	wrdreg $0xFFFFFFFF;
	(pc) =	sbr.abs _section_cstart, $3  }
0xc0: {  	[dreg:$0x1] =	wrdreg $0xFFFFFFFF  }
0xc1: {  	_ =	task.clear_ibuf [dreg:s6], $0x2FFFF;
	_ =	strace $0x9FFFFFFF  }
0xc2: {  	(tm) =	ssettm $0x7FFFFFFF  }
0xc3: {  	_ =	shalt  }
tec
execute0_lowered:
.L_overlay_start_1:
0x0: {  	(tag) =	ssettag $0x1  }
0x1: {  	s6 =	rddreg [dreg:$0x0]  }
0x2: {  	s0 =	srdreg.scid;
	s2 =	rddreg [dreg:$0x1]  }
0x3: {  	s3 =	simm.s32 $0x0;
	s5 =	sand.u32 $0x1, s0;
	s0 =	stileid.u32  }
0x4: {  	s14 =	simm.s32 $0x80;
	s15 =	simm.s32 $0x0;
	s7 =	smul.u32 $0x14000, s0  }
0x5: {  	[smem:$0x7FF] =	sst s3;
	s1 =	sshll.u32 s5, $0x4;
	s8 =	smul.u32 $0x140000, s5  }
0x6: {  	s5 =	ssub.s32 $0x2, s5;
	s28 =	smul.u32 $0x50000, s0;
	s1 =	sor.u32 s0, s1  }
0x7: {  	s31 =	sshll.u32 s0, $0x6;
	s29 =	sshrl.u32 s5, $0x1;
	s4 =	smul.u32 $0x500, s1  }
0x8: {  	s1 =	rddreg [dreg:$0x2];
	_ =	strace $0x80000047;
	s10 =	sshrl.u32 s7, $0x3  }
0x9: {  	s7 =	sadd.s32 s7, s8;
	s12 =	ssub.s32 s5, s29;
	s30 =	sshrl.u32 s28, $0x2  }
0xa: {  	s7 =	sshrl.u32 s7, $0x3;
	s10 =	sadd.s32 s10, s6;
	s13 =	sadd.s32 s30, s2  }
0xb: {  	s9 =	sadd.s32 s4, s6;
	s4 =	sadd.s32 $0x35E00, s6;
	s11 =	sadd.s32 s7, s6  }
0xc: {  	s5 =	sadd.s32 $0xDE00, s10;
	s6 =	sor.u32 $0x1C01, s31;
	s10 =	sshrl.u32 s13, $0x3  }
0xd: {  	s13 =	simm.s32 $0x16800;
	s7 =	sadd.s32 $0x3E00, s9;
	s8 =	sadd.s32 $0x36600, s11  }
0xe: {  	s9 =	smax.u32 s12, $0x1;
	s11 =	simm.s32 $0x1;
	s12 =	simm.s32 $0x14000  }
.LBB2_1:
0xf: {  	[spmem:s10], [sflag:s6] =	dma.local [hbm:s5], $0x2800  }
0x10: {  	_ =	swait.ge [sflag:s11], $0x2800  }
0x11: {  	[sflag:s11] =	ssyncset.done $0x0  }
0x12: {  	[sflag:s11] =	ssyncadd.s32 $0xFFFFD800  }
0x13: {  	[tilespmem:s12], [sflag:$0x1] =	stream.linear.gather [hbm4b:s7+s3], $0x2800, $0x38;
	[tilespmem:$0x1A800] =	vst v63  }
0x14: {  	_ =	swait.ge [sflag:s11], $0x2800  }
0x15: {  	[sflag:s11] =	ssyncset.done $0x0  }
0x16: {  	[sflag:s11] =	ssyncadd.s32 $0xFFFFD800  }
0x17: {  	[tilespmem:s13], [sflag:$0x1] =	stream.linear.gather [hbm4b:s4+s3], $0x4000, $0x38;
	[tilespmem:$0x1A800] =	vst v63  }
0x18: {  	_ =	swait.ge [sflag:s11], $0x4000  }
0x19: {  	[sflag:s11] =	ssyncset.done $0x0  }
0x1a: {  	[sflag:s11] =	ssyncadd.s32 $0xFFFFC000  }
0x1b: {  	s16 =	simm.s32 $0x14000;
	[bflag:$0x0] =	sbarrier.arrive $0xFFFF  }
0x1c: {  	[spmem:s2] =	stream.indirect.scatter.add.f32 [tilespmem:s13], [sflag:$0x1], $0x80, s16, s14, $0xb8;
	[tilespmem:$0x1A800] =	vst v63  }
0x1d: {  	s16 =	simm.s32 $0x200;
	_ =	swait.ge [sflag:s11], $0x4000  }
.LBB2_2:
0x1e: {  	s17 =	sshra.s32 s16, $0x2;
	[sflag:s11] =	ssyncset.done $0x0;
	p0 =	sne.s32 s16, $0x9E00  }
.Ltmp0:
0x1f: {  	s17 =	sadd.s32 $0x14000, s17;
	[sflag:s11] =	ssyncadd.s32 $0xFFFFC000;
	(pc) =	sbr.rel @p0 .LBB2_2-.Ltmp0, $3  }
0x20: {  	[spmem:s2] =	stream.indirect.scatter.add.f32 [tilespmem:s13], [sflag:$0x1], $0x80, s17, s14, $0xb8;
	[tilespmem:$0x1A800] =	vst v63  }
0x21: {  	s16 =	sadd.s32 $0x200, s16;
	_ =	sdelay $0x1  }
0x22: {  	_ =	swait.ge [sflag:s11], $0x4000  }
0x23: {  	[sflag:s11] =	ssyncset.done $0x0;
	s15 =	sadd.s32 $0x1, s15  }
0x24: {  	[sflag:s11] =	ssyncadd.s32 $0xFFFFC000;
	p0 =	sne.s32 s15, s9  }
.Ltmp1:
0x25: {  	[bflag:$0x0] =	sbarrier.arrive $0xFFFF;
	(pc) =	sbr.rel @p0 .LBB2_1-.Ltmp1, $4  }
0x26: {  	[hbm:s8], [sflag:s6] =	dma.local [spmem:s10], $0x2800  }
0x27: {  	_ =	swait.ge [sflag:s11], $0x2800  }
0x28: {  	[sflag:s11] =	ssyncset.done $0x0  }
0x29: {  	[sflag:s11] =	ssyncadd.s32 $0xFFFFD800  }
0x2a: {  	_ =	sfence.sel $0x180000  }
0x2b: {  	[bflag:$0x0] =	sbarrier.arrive $0xFFFF  }
0x2c: {  	p0 =	sne.s32 s0, $0x0;
	_ =	strace $0x90000047  }
0x2d: {  	s0 =	sadd.s32 @!p0 $0x100000, s1;
	[bflag:$0x2] =	sbarrier.arrive $0xFFFF  }
0x2e: {  	[sflag:s0] =	ssyncadd.tile.s32 @!p0 $0x1;
	_ =	shalt  }
.Lfunc_end2:
_tile_overlayer_lowered:
.L_overlay_start_2:
0x2f: {  	(tag) =	ssettag $0x2  }
0x30: {  	s0 =	rddreg [dreg:$0x0];
	s2 =	stileid.u32  }
0x31: {  	s1 =	rddreg [dreg:$0x1];
	p0 =	sne.s32 s2, $0x0  }
0x32: {  	s3 =	rddreg [dreg:$0x2];
	[bflag:$0x3] =	sbarrier.arrive $0xFFFF;
	s2 =	simm.s32 @!p0 $0x1C01  }
0x33: {  	[timem:s3], [sflag:s2] =	dma.local @!p0 [hbm:s0], s1  }
0x34: {  	s0 =	simm.s32 @!p0 $0x1  }
0x35: {  	_ =	swait.ge @!p0 [sflag:s0], s1  }
0x36: {  	s1 =	ssub.s32 @!p0 $0x0, s1;
	[sflag:s0] =	ssyncset.done @!p0 $0x0  }
0x37: {  	[sflag:s0] =	ssyncadd.s32 @!p0 s1  }
0x38: {  	[bflag:$0x3] =	sbarrier.arrive $0xFFFF  }
0x39: {  	_ =	shalt  }

// kernel: kernel.13.cloned.1.call-start
scs
__scs_entry_jumppad:
0x0: {  	(pc) =	sbr.rel $0x88, $3  }
0x1: {  	(tag) =	ssettag $0x0;
	lr =	simm.s32 $0x1  }
0x2: {  	[smem:$0x3F95] =	sst lr;
	_ =	strace $0xD0000000  }
0x3: {  	_ = 	snop  }
0x4: {  	_ = 	snop  }
0x5: {  	_ = 	snop  }
0x6: {  	_ = 	snop  }
0x7: {  	_ = 	snop  }
__scs_overlays_trampoline_lowered:
0x8: {  	[smem:$0x3FA4] =	sst s0  }
0x9: {  	[smem:$0x3FA5] =	sst s1  }
0xa: {  	[smem:$0x3FA6] =	sst s2  }
0xb: {  	[smem:$0x3FA7] =	sst s3  }
0xc: {  	[smem:$0x3FA8] =	sst s4  }
0xd: {  	[smem:$0x3FA9] =	sst s5  }
0xe: {  	[smem:$0x3FAA] =	sst s6  }
0xf: {  	[smem:$0x3FAB] =	sst s7  }
0x10: {  	[smem:$0x3FAC] =	sst s8  }
0x11: {  	[smem:$0x3FAD] =	sst s9;
	s0 =	simm.s32 @!p0 $0x0  }
0x12: {  	s1 =	sld [smem:$0x3F93];
	s0 =	simm.s32 @p0 $0x1  }
0x13: {  	[smem:$0x3FAE] =	sst s0;
	s0 =	simm.s32 @!p1 $0x0  }
0x14: {  	s2 =	sld [smem:$0x3F92];
	s0 =	simm.s32 @p1 $0x1  }
0x15: {  	[smem:$0x3FAF] =	sst s0;
	s0 =	simm.s32 @!p2 $0x0  }
0x16: {  	s3 =	sld [smem:$0x3FDB];
	s0 =	simm.s32 @p2 $0x1  }
0x17: {  	s4 =	simm.s32 $0x1BF5;
	[smem:$0x3FB1] =	sst s0  }
0x18: {  	s0 =	sld [smem:$0x3F94];
	_ =	swait.ge [sflag:s4], $0x0  }
0x19: {  	s7 =	sld [smem:$0x3F95]  }
0x1a: {  	s8 =	sadd.s32 $0xFFFFE003, lr  }
0x1b: {  	s9 =	sadd.s32 $0xFFFFFEF7, lr;
	s5 =	simm.s32 $0xFFFFFFFF;
	p2 =	slt.u32 s8, $0xFFFFF086  }
0x1c: {  	p1 =	slt.u32 s9, $0xF7A;
	s5 =	simm.s32 @!p2 $0x0  }
0x1d: {  	s5 =	simm.s32 @p1 $0x1;
	p0 =	seq.s32 s7, s2  }
0x1e: {  	s7 =	smul.u32 @!p0 $0xF7A, s2;
	p2 =	seq.s32 @!p0 s5, $0x0  }
0x1f: {  	s9 =	smul.u32 $0xF7A, s1;
	s8 =	simm.s32 @!p0 $0x1BF5;
	p2 =	por !p2, p0  }
0x20: {  	[sflag:s8] =	ssyncset.s32 @!p0 $0xFFFFF086;
	s6 =	sadd.s32 @!p0 s3, s7;
	s7 =	simm.s32 @!p0 $0x108  }
0x21: {  	s3 =	sadd.s32 s3, s9;
	s6 =	sadd.s32 @!p0 $0x88, s6;
	s7 =	simm.s32 @p2 $0x1082  }
0x22: {  	[simem:s7], [sflag:s8] =	dma.local @!p0 [hbm:s6], $0xF7A  }
0x23: {  	s9 =	sor.u32 $0xD0000000, s2;
	s6 =	simm.s32 $0x108;
	_ =	swait.ge @!p0 [sflag:s8], $0x0  }
0x24: {  	s3 =	sadd.s32 $0x88, s3;
	s6 =	simm.s32 @!p1 $0x1082;
	[sflag:s4] =	ssyncset.s32 $0xFFFFF086  }
0x25: {  	[simem:s6], [sflag:s4] =	dma.local [hbm:s3], $0xF7A  }
0x26: {  	[smem:$0x3F95] =	sst s1;
	(tag) =	ssettag s2;
	_ =	strace s9  }
0x27: {  	s1 =	sld [smem:$0x3FA5]  }
0x28: {  	s2 =	sld [smem:$0x3FA6]  }
0x29: {  	s4 =	sld [smem:$0x3FA8]  }
0x2a: {  	p0 =	seq.s32 s5, $0x0;
	s5 =	sld [smem:$0x3FA9]  }
0x2b: {  	s6 =	sld [smem:$0x3FAA]  }
0x2c: {  	s7 =	sld [smem:$0x3FAB]  }
0x2d: {  	s3 =	simm.s32 $0x108;
	s8 =	sld [smem:$0x3FAC]  }
0x2e: {  	s3 =	simm.s32 @!p0 $0x1082;
	s9 =	sld [smem:$0x3FAD]  }
0x2f: {  	lr =	sadd.s32 s0, s3;
	s0 =	sld [smem:$0x3FA4]  }
0x30: {  	s3 =	sld [smem:$0x3FA7]  }
0x31: {  	[smem:$0x3FB0] =	sst s10  }
0x32: {  	s10 =	sld [smem:$0x3FAE];
	_ =	sdelay $0x3  }
0x33: {  	p0 =	seq.s32 s10, $0x1;
	s10 =	sld [smem:$0x3FB0];
	_ =	sdelay $0x3  }
0x34: {  	[smem:$0x3FB0] =	sst s10  }
0x35: {  	s10 =	sld [smem:$0x3FAF];
	_ =	sdelay $0x3  }
0x36: {  	p1 =	seq.s32 s10, $0x1;
	s10 =	sld [smem:$0x3FB0];
	_ =	sdelay $0x3  }
0x37: {  	[smem:$0x3FB0] =	sst s10  }
0x38: {  	s10 =	sld [smem:$0x3FB1]  }
0x39: {  	_ = 	snop;
	(pc) =	sbr.ind lr, $3  }
0x3a: {  	_ = 	snop  }
0x3b: {  	_ = 	snop  }
0x3c: {  	p2 =	seq.s32 s10, $0x1;
	s10 =	sld [smem:$0x3FB0]  }
0x3d: {  	_ =	shalt  }
0x3e: {  	_ =	shalt  }
0x3f: {  	_ =	shalt  }
0x40: {  	_ =	shalt  }
0x41: {  	_ =	shalt  }
0x42: {  	_ =	shalt  }
0x43: {  	_ =	shalt  }
0x44: {  	_ =	shalt  }
0x45: {  	_ =	shalt  }
0x46: {  	_ =	shalt  }
0x47: {  	_ =	shalt  }
0x48: {  	_ =	shalt  }
0x49: {  	_ =	shalt  }
0x4a: {  	_ =	shalt  }
0x4b: {  	_ =	shalt  }
0x4c: {  	_ =	shalt  }
0x4d: {  	_ =	shalt  }
0x4e: {  	_ =	shalt  }
0x4f: {  	_ =	shalt  }
0x50: {  	_ =	shalt  }
0x51: {  	_ =	shalt  }
0x52: {  	_ =	shalt  }
0x53: {  	_ =	shalt  }
0x54: {  	_ =	shalt  }
0x55: {  	_ =	shalt  }
0x56: {  	_ =	shalt  }
0x57: {  	_ =	shalt  }
0x58: {  	_ =	shalt  }
0x59: {  	_ =	shalt  }
0x5a: {  	_ =	shalt  }
0x5b: {  	_ =	shalt  }
0x5c: {  	_ =	shalt  }
0x5d: {  	_ =	shalt  }
0x5e: {  	_ =	shalt  }
0x5f: {  	_ =	shalt  }
0x60: {  	_ =	shalt  }
0x61: {  	_ =	shalt  }
0x62: {  	_ =	shalt  }
0x63: {  	_ =	shalt  }
0x64: {  	_ =	shalt  }
0x65: {  	_ =	shalt  }
0x66: {  	_ =	shalt  }
0x67: {  	_ =	shalt  }
0x68: {  	_ =	shalt  }
0x69: {  	_ =	shalt  }
0x6a: {  	_ =	shalt  }
0x6b: {  	_ =	shalt  }
0x6c: {  	_ =	shalt  }
0x6d: {  	_ =	shalt  }
0x6e: {  	_ =	shalt  }
0x6f: {  	_ =	shalt  }
0x70: {  	_ =	shalt  }
0x71: {  	_ =	shalt  }
0x72: {  	_ =	shalt  }
0x73: {  	_ =	shalt  }
0x74: {  	_ =	shalt  }
0x75: {  	_ =	shalt  }
0x76: {  	_ =	shalt  }
0x77: {  	_ =	shalt  }
0x78: {  	_ =	shalt  }
0x79: {  	_ =	shalt  }
0x7a: {  	_ =	shalt  }
0x7b: {  	_ =	shalt  }
0x7c: {  	_ =	shalt  }
0x7d: {  	_ =	shalt  }
0x7e: {  	_ =	shalt  }
0x7f: {  	_ =	shalt  }
0x80: {  	_ =	shalt  }
0x81: {  	_ =	shalt  }
0x82: {  	_ =	shalt  }
0x83: {  	_ =	shalt  }
0x84: {  	_ =	shalt  }
0x85: {  	_ =	shalt  }
0x86: {  	_ =	shalt  }
0x87: {  	_ =	shalt  }
.Lfunc_end0:
.L_simem_size_0:
called_computation.1_lowered:
.L_overlay_start_0:
0x88: {  	s2 =	sld [smem:$0x3FD9]  }
0x89: {  	s3 =	sld [smem:$0x3FFE];
	_ =	sdelay $0x1  }
0x8a: {  	s1 =	srdreg.scid  }
0x8b: {  	s0 =	sand.u32 $0x1, s1  }
0x8c: {  	s17 =	sshll.u32 s0, $0xA;
	s2 =	sadd.s32 s3, s2  }
0x8d: {  	s2 =	sadd.s32 s2, s17  }
0x8e: {  	[smem:$0x3FBC] =	sst s2  }
0x8f: {  	_ = 	snop  }
0x90: {  	s2 =	sld [smem:$0x3FD0];
	(tm) =	ssettm $0x1  }
0x91: {  	s18 =	sld [smem:$0x3FFB];
	_ =	sdelay $0x3  }
0x92: {  	_ =	strace s18  }
0x93: {  	s3 =	sld [smem:$0x3FFC];
	_ =	sdelay $0x3  }
0x94: {  	_ =	strace s3  }
0x95: {  	s3 =	sld [smem:$0x3FFD];
	_ =	sdelay $0x3  }
0x96: {  	_ =	strace s3  }
0x97: {  	_ =	strace $0x8FFFFFFF  }
0x98: {  	s19 =	sld [smem:$0x3FDB];
	_ =	sdelay $0x1  }
0x99: {  	s4 =	simm.s32 $_scs_section_size  }
0x9a: {  	s5 =	simm.s32 $_size__tile_overlayer_lowered;
	s6 =	simm.s32 $_tile_overlayer_lowered  }
0x9b: {  	s22 =	simm.s32 $0x1BFF;
	s21 =	sshll.u32 s6, $0x1;
	s3 =	sadd.s32 s4, s19  }
0x9c: {  	s7 =	simm.s32 $0x0;
	s20 =	sshll.u32 s5, $0x1;
	s5 =	sadd.s32 s21, s3  }
0x9d: {  	[timem:s7], [sflag:s22] =	dma.local [hbm:s5], s20  }
0x9e: {  	_ =	swait.ge [sflag:s22], s20  }
0x9f: {  	s4 =	ssub.s32 $0x0, s20;
	[sflag:s22] =	ssyncset.done $0x0  }
0xa0: {  	[sflag:s22] =	ssyncadd.s32 s4;
	_ =	sdelay $0x1  }
0xa1: {  	s23 =	simm.s32 $0x1B8B  }
0xa2: {  	_ =	swait.ge [sflag:s23], $0x1  }
0xa3: {  	[sflag:s23] =	ssyncset.done $0x0  }
0xa4: {  	s25 =	simm.s32 $0x1B8E;
	s24 =	sld [smem:$0x3FFE];
	[sflag:s23] =	ssyncadd.s32 $0xFFFFFFFF  }
0xa5: {  	s26 =	simm.s32 $execute0_lowered;
	[smem:$0x3FD2] =	sst s25  }
0xa6: {  	s5 =	sshll.u32 s26, $0x1;
	_ =	strace $0x80000049;
	[dreg:$0x1] =	wrdreg $0xFFFFFFFF  }
0xa7: {  	s28 =	simm.s32 $_size_execute0_lowered;
	s3 =	sadd.s32 s3, s5;
	[dreg:$0x0] =	wrdreg $0x0  }
0xa8: {  	s5 =	sshll.u32 s28, $0x1;
	[dreg:$0x2] =	wrdreg s3  }
0xa9: {  	[dreg:$0x3] =	wrdreg s5  }
0xaa: {  	[dreg:$0x4] =	wrdreg $0xC0  }
0xab: {  	_ =	task [dreg:s7], $0x5FFFF  }
0xac: {  	[dreg:$0x1] =	wrdreg $0xFFFFFFFF  }
0xad: {  	[dreg:$0x0] =	wrdreg $0x60  }
0xae: {  	[dreg:$0x2] =	wrdreg s24  }
0xaf: {  	[dreg:$0x3] =	wrdreg s2  }
0xb0: {  	[dreg:$0x4] =	wrdreg $0x0  }
0xb1: {  	[dreg:$0x5] =	wrdreg $0x9  }
0xb2: {  	_ =	task.clear_ibuf [dreg:s7], $0x6FFFF;
	_ =	strace $0x90000049  }
0xb3: {  	s29 =	simm.s32 $0x9;
	_ =	strace $0x8000004B  }
0xb4: {  	_ =	swait.ge [sflag:s29], $0x1  }
0xb5: {  	[sflag:s29] =	ssyncadd.s32 $0xFFFFFFFF  }
0xb6: {  	_ =	strace $0x9000004B  }
0xb7: {  	_ =	sfence  }
0xb8: {  	s30 =	sld [smem:$0x0];
	_ =	sdelay $0x2  }
0xb9: {  	s31 =	sshll.u32 s1, $0xD;
	s1 =	sshrl.u32 s1, $0x2  }
0xba: {  	s3 =	sand.u32 $0x4000, s31;
	s1 =	sadd.s32 s1, s30  }
0xbb: {  	s0 =	sor.u32 s3, s0;
	s1 =	sshll.u32 s1, $0x11  }
0xbc: {  	s0 =	sor.u32 s1, s0  }
0xbd: {  	s0 =	sadd.s32 $0x8F2B, s0  }
0xbe: {  	[sflag:s0] =	ssyncadd.remote.s32 $0x1  }
0xbf: {  	_ =	sfence.sel $0xFFFF  }
0xc0: {  	[dreg:$0x0] =	wrdreg $0xFFFFFFFF;
	(pc) =	sbr.abs _section_cstart, $3  }
0xc1: {  	[dreg:$0x1] =	wrdreg $0xFFFFFFFF  }
0xc2: {  	_ =	task.clear_ibuf [dreg:s7], $0x2FFFF;
	_ =	strace $0x9FFFFFFF  }
0xc3: {  	(tm) =	ssettm $0x7FFFFFFF  }
tec
execute0_lowered:
.L_overlay_start_1:
0x0: {  	(tag) =	ssettag $0x1  }
0x1: {  	s6 =	rddreg [dreg:$0x0]  }
0x2: {  	s7 =	rddreg [dreg:$0x1]  }
0x3: {  	s0 =	srdreg.scid;
	s2 =	rddreg [dreg:$0x2]  }
0x4: {  	s3 =	simm.s32 $0x0;
	s15 =	simm.s32 $0x80;
	s16 =	simm.s32 $0x19000  }
0x5: {  	s17 =	simm.s32 $0x1;
	s5 =	sand.u32 $0x1, s0;
	s0 =	stileid.u32  }
0x6: {  	s18 =	simm.s32 $0x0;
	[smem:$0x7FF] =	sst s3;
	s9 =	smul.u32 $0x14000, s0  }
0x7: {  	s4 =	sadd.s32 $0x35E00, s6;
	s1 =	sshll.u32 s5, $0x4;
	s10 =	smul.u32 $0x140000, s5  }
0x8: {  	s5 =	ssub.s32 $0x2, s5;
	s28 =	smul.u32 $0x50000, s0;
	s1 =	sor.u32 s0, s1  }
0x9: {  	s31 =	sshll.u32 s0, $0x6;
	s29 =	sshrl.u32 s5, $0x1;
	s8 =	smul.u32 $0x500, s1  }
0xa: {  	s1 =	rddreg [dreg:$0x3];
	_ =	strace $0x8000004A;
	s12 =	sshrl.u32 s9, $0x3  }
0xb: {  	s9 =	sadd.s32 s9, s10;
	s13 =	ssub.s32 s5, s29;
	s30 =	sshrl.u32 s28, $0x2  }
0xc: {  	s9 =	sshrl.u32 s9, $0x3;
	s12 =	sadd.s32 s12, s6;
	s14 =	sadd.s32 s30, s2  }
0xd: {  	s10 =	smax.u32 s13, $0x1;
	s13 =	simm.s32 $0x14000;
	s11 =	sadd.s32 s8, s6  }
0xe: {  	s9 =	sadd.s32 s9, s6;
	s5 =	sadd.s32 $0xDE00, s12;
	s6 =	sor.u32 $0x1C02, s31  }
0xf: {  	s7 =	sadd.s32 s7, s8;
	s12 =	simm.s32 $0x2;
	s8 =	sadd.s32 $0x3E00, s11  }
0x10: {  	s9 =	sadd.s32 $0x5DE00, s9;
	s11 =	sshrl.u32 s14, $0x3;
	s14 =	simm.s32 $0x16800  }
.LBB2_1:
0x11: {  	[spmem:s11], [sflag:s6] =	dma.local [hbm:s5], $0x2800  }
0x12: {  	_ =	swait.ge [sflag:s12], $0x2800  }
0x13: {  	[sflag:s12] =	ssyncset.done $0x0  }
0x14: {  	[sflag:s12] =	ssyncadd.s32 $0xFFFFD800  }
0x15: {  	[tilespmem:s13], [sflag:$0x2] =	stream.linear.gather [hbm4b:s7+s3], $0x2800, $0x38;
	[tilespmem:$0x1D000] =	vst v63  }
0x16: {  	_ =	swait.ge [sflag:s12], $0x2800  }
0x17: {  	[sflag:s12] =	ssyncset.done $0x0  }
0x18: {  	[sflag:s12] =	ssyncadd.s32 $0xFFFFD800  }
0x19: {  	[tilespmem:s14], [sflag:$0x2] =	stream.linear.gather [hbm4b:s8+s3], $0x2800, $0x38;
	[tilespmem:$0x1D000] =	vst v63  }
0x1a: {  	_ =	swait.ge [sflag:s12], $0x2800  }
0x1b: {  	[sflag:s12] =	ssyncset.done $0x0  }
0x1c: {  	[sflag:s12] =	ssyncadd.s32 $0xFFFFD800  }
0x1d: {  	s19 =	simm.s32 $0x14000;
	[bflag:$0x0] =	sbarrier.arrive $0xFFFF  }
0x1e: {  	[tilespmem:s16], [sflag:$0x1] =	stream.indirect.gather [hbm4b:s4+s15], $0x80, s19, s15, $0xb8;
	[tilespmem:$0x1D000] =	vst v63  }
0x1f: {  	_ =	swait.ge [sflag:s17], $0x4000  }
0x20: {  	[sflag:s17] =	ssyncset.done $0x0  }
0x21: {  	s31 =	simm.s32 $0x16800;
	[sflag:s17] =	ssyncadd.s32 $0xFFFFC000  }
0x22: {  	[spmem:s2] =	stream.indirect.scatter.add.f32 [tilespmem:s16], [sflag:$0x2], $0x80, s31, s15, $0xb8;
	[tilespmem:$0x1D000] =	vst v63  }
0x23: {  	_ =	swait.ge [sflag:s12], $0x4000  }
0x24: {  	s20 =	simm.s32 $0x400;
	s19 =	simm.s32 $0x80;
	[sflag:s12] =	ssyncset.done $0x0  }
.LBB2_2:
0x25: {  	s21 =	sadd.s32 $0x14000, s19  }
0x26: {  	[sflag:s12] =	ssyncadd.s32 $0xFFFFC000;
	s22 =	smov.u32 s20;
	s23 =	sadd.s32 $0x200, s20  }
0x27: {  	[tilespmem:s16], [sflag:$0x1] =	stream.indirect.gather [hbm4b:s4+s15], $0x80, s21, s15, $0xb8;
	[tilespmem:$0x1D000] =	vst v63  }
0x28: {  	p0 =	sne.s32 s20, $0x9E00;
	_ =	swait.ge [sflag:s17], $0x4000  }
.Ltmp0:
0x29: {  	[sflag:s17] =	ssyncset.done $0x0;
	(pc) =	sbr.rel @p0 .LBB2_2-.Ltmp0, $4  }
0x2a: {  	s19 =	sadd.s32 $0x16800, s19;
	[sflag:s17] =	ssyncadd.s32 $0xFFFFC000  }
0x2b: {  	[spmem:s2] =	stream.indirect.scatter.add.f32 [tilespmem:s16], [sflag:$0x2], $0x80, s19, s15, $0xb8;
	[tilespmem:$0x1D000] =	vst v63  }
0x2c: {  	_ =	swait.ge [sflag:s12], $0x4000  }
0x2d: {  	s20 =	smov.u32 s23;
	s19 =	sshra.s32 s22, $0x2;
	[sflag:s12] =	ssyncset.done $0x0  }
0x2e: {  	s20 =	sadd.s32 $0x14000, s19;
	[sflag:s12] =	ssyncadd.s32 $0xFFFFC000  }
0x2f: {  	[tilespmem:s16], [sflag:$0x1] =	stream.indirect.gather [hbm4b:s4+s15], $0x80, s20, s15, $0xb8;
	[tilespmem:$0x1D000] =	vst v63  }
0x30: {  	_ =	swait.ge [sflag:s17], $0x4000  }
0x31: {  	[sflag:s17] =	ssyncset.done $0x0  }
0x32: {  	s31 =	sadd.s32 $0x16800, s19;
	[sflag:s17] =	ssyncadd.s32 $0xFFFFC000  }
0x33: {  	[spmem:s2] =	stream.indirect.scatter.add.f32 [tilespmem:s16], [sflag:$0x2], $0x80, s31, s15, $0xb8;
	[tilespmem:$0x1D000] =	vst v63  }
0x34: {  	_ =	swait.ge [sflag:s12], $0x4000  }
0x35: {  	s18 =	sadd.s32 $0x1, s18;
	[sflag:s12] =	ssyncset.done $0x0  }
0x36: {  	p0 =	sne.s32 s18, s10;
	[sflag:s12] =	ssyncadd.s32 $0xFFFFC000  }
.Ltmp1:
0x37: {  	[bflag:$0x0] =	sbarrier.arrive $0xFFFF;
	(pc) =	sbr.rel @p0 .LBB2_1-.Ltmp1, $4  }
0x38: {  	[hbm:s9], [sflag:s6] =	dma.local [spmem:s11], $0x2800  }
0x39: {  	_ =	swait.ge [sflag:s12], $0x2800  }
0x3a: {  	[sflag:s12] =	ssyncset.done $0x0  }
0x3b: {  	[sflag:s12] =	ssyncadd.s32 $0xFFFFD800  }
0x3c: {  	_ =	sfence.sel $0x180000  }
0x3d: {  	[bflag:$0x0] =	sbarrier.arrive $0xFFFF  }
0x3e: {  	p0 =	sne.s32 s0, $0x0;
	_ =	strace $0x9000004A  }
0x3f: {  	s0 =	sadd.s32 @!p0 $0x100000, s1;
	[bflag:$0x2] =	sbarrier.arrive $0xFFFF  }
0x40: {  	[sflag:s0] =	ssyncadd.tile.s32 @!p0 $0x1;
	_ =	shalt  }
.Lfunc_end2:
_tile_overlayer_lowered:
.L_overlay_start_2:
0x41: {  	(tag) =	ssettag $0x2  }
0x42: {  	s0 =	rddreg [dreg:$0x0];
	s2 =	stileid.u32  }
0x43: {  	s1 =	rddreg [dreg:$0x1];
	p0 =	sne.s32 s2, $0x0  }
0x44: {  	s3 =	rddreg [dreg:$0x2];
	[bflag:$0x3] =	sbarrier.arrive $0xFFFF;
	s2 =	simm.s32 @!p0 $0x1C02  }
0x45: {  	[timem:s3], [sflag:s2] =	dma.local @!p0 [hbm:s0], s1  }
0x46: {  	s0 =	simm.s32 @!p0 $0x2  }
0x47: {  	_ =	swait.ge @!p0 [sflag:s0], s1  }
0x48: {  	s1 =	ssub.s32 @!p0 $0x0, s1;
	[sflag:s0] =	ssyncset.done @!p0 $0x0  }
0x49: {  	[sflag:s0] =	ssyncadd.s32 @!p0 s1  }
0x4a: {  	[bflag:$0x3] =	sbarrier.arrive $0xFFFF  }
0x4b: {  	_ =	shalt  }

// kernel: kernel.16.cloned.1.call-start
scs
__scs_entry_jumppad:
0x0: {  	(pc) =	sbr.rel $0x88, $3  }
0x1: {  	(tag) =	ssettag $0x0;
	lr =	simm.s32 $0x1  }
0x2: {  	[smem:$0x3F95] =	sst lr;
	_ =	strace $0xD0000000  }
0x3: {  	_ = 	snop  }
0x4: {  	_ = 	snop  }
0x5: {  	_ = 	snop  }
0x6: {  	_ = 	snop  }
0x7: {  	_ = 	snop  }
__scs_overlays_trampoline_lowered:
0x8: {  	[smem:$0x3FA4] =	sst s0  }
0x9: {  	[smem:$0x3FA5] =	sst s1  }
0xa: {  	[smem:$0x3FA6] =	sst s2  }
0xb: {  	[smem:$0x3FA7] =	sst s3  }
0xc: {  	[smem:$0x3FA8] =	sst s4  }
0xd: {  	[smem:$0x3FA9] =	sst s5  }
0xe: {  	[smem:$0x3FAA] =	sst s6  }
0xf: {  	[smem:$0x3FAB] =	sst s7  }
0x10: {  	[smem:$0x3FAC] =	sst s8  }
0x11: {  	[smem:$0x3FAD] =	sst s9;
	s0 =	simm.s32 @!p0 $0x0  }
0x12: {  	s1 =	sld [smem:$0x3F93];
	s0 =	simm.s32 @p0 $0x1  }
0x13: {  	[smem:$0x3FAE] =	sst s0;
	s0 =	simm.s32 @!p1 $0x0  }
0x14: {  	s2 =	sld [smem:$0x3F92];
	s0 =	simm.s32 @p1 $0x1  }
0x15: {  	[smem:$0x3FAF] =	sst s0;
	s0 =	simm.s32 @!p2 $0x0  }
0x16: {  	s3 =	sld [smem:$0x3FDB];
	s0 =	simm.s32 @p2 $0x1  }
0x17: {  	s4 =	simm.s32 $0x1BF5;
	[smem:$0x3FB1] =	sst s0  }
0x18: {  	s0 =	sld [smem:$0x3F94];
	_ =	swait.ge [sflag:s4], $0x0  }
0x19: {  	s7 =	sld [smem:$0x3F95]  }
0x1a: {  	s8 =	sadd.s32 $0xFFFFE003, lr  }
0x1b: {  	s9 =	sadd.s32 $0xFFFFFEF7, lr;
	s5 =	simm.s32 $0xFFFFFFFF;
	p2 =	slt.u32 s8, $0xFFFFF086  }
0x1c: {  	p1 =	slt.u32 s9, $0xF7A;
	s5 =	simm.s32 @!p2 $0x0  }
0x1d: {  	s5 =	simm.s32 @p1 $0x1;
	p0 =	seq.s32 s7, s2  }
0x1e: {  	s7 =	smul.u32 @!p0 $0xF7A, s2;
	p2 =	seq.s32 @!p0 s5, $0x0  }
0x1f: {  	s9 =	smul.u32 $0xF7A, s1;
	s8 =	simm.s32 @!p0 $0x1BF5;
	p2 =	por !p2, p0  }
0x20: {  	[sflag:s8] =	ssyncset.s32 @!p0 $0xFFFFF086;
	s6 =	sadd.s32 @!p0 s3, s7;
	s7 =	simm.s32 @!p0 $0x108  }
0x21: {  	s3 =	sadd.s32 s3, s9;
	s6 =	sadd.s32 @!p0 $0x88, s6;
	s7 =	simm.s32 @p2 $0x1082  }
0x22: {  	[simem:s7], [sflag:s8] =	dma.local @!p0 [hbm:s6], $0xF7A  }
0x23: {  	s9 =	sor.u32 $0xD0000000, s2;
	s6 =	simm.s32 $0x108;
	_ =	swait.ge @!p0 [sflag:s8], $0x0  }
0x24: {  	s3 =	sadd.s32 $0x88, s3;
	s6 =	simm.s32 @!p1 $0x1082;
	[sflag:s4] =	ssyncset.s32 $0xFFFFF086  }
0x25: {  	[simem:s6], [sflag:s4] =	dma.local [hbm:s3], $0xF7A  }
0x26: {  	[smem:$0x3F95] =	sst s1;
	(tag) =	ssettag s2;
	_ =	strace s9  }
0x27: {  	s1 =	sld [smem:$0x3FA5]  }
0x28: {  	s2 =	sld [smem:$0x3FA6]  }
0x29: {  	s4 =	sld [smem:$0x3FA8]  }
0x2a: {  	p0 =	seq.s32 s5, $0x0;
	s5 =	sld [smem:$0x3FA9]  }
0x2b: {  	s6 =	sld [smem:$0x3FAA]  }
0x2c: {  	s7 =	sld [smem:$0x3FAB]  }
0x2d: {  	s3 =	simm.s32 $0x108;
	s8 =	sld [smem:$0x3FAC]  }
0x2e: {  	s3 =	simm.s32 @!p0 $0x1082;
	s9 =	sld [smem:$0x3FAD]  }
0x2f: {  	lr =	sadd.s32 s0, s3;
	s0 =	sld [smem:$0x3FA4]  }
0x30: {  	s3 =	sld [smem:$0x3FA7]  }
0x31: {  	[smem:$0x3FB0] =	sst s10  }
0x32: {  	s10 =	sld [smem:$0x3FAE];
	_ =	sdelay $0x3  }
0x33: {  	p0 =	seq.s32 s10, $0x1;
	s10 =	sld [smem:$0x3FB0];
	_ =	sdelay $0x3  }
0x34: {  	[smem:$0x3FB0] =	sst s10  }
0x35: {  	s10 =	sld [smem:$0x3FAF];
	_ =	sdelay $0x3  }
0x36: {  	p1 =	seq.s32 s10, $0x1;
	s10 =	sld [smem:$0x3FB0];
	_ =	sdelay $0x3  }
0x37: {  	[smem:$0x3FB0] =	sst s10  }
0x38: {  	s10 =	sld [smem:$0x3FB1]  }
0x39: {  	_ = 	snop;
	(pc) =	sbr.ind lr, $3  }
0x3a: {  	_ = 	snop  }
0x3b: {  	_ = 	snop  }
0x3c: {  	p2 =	seq.s32 s10, $0x1;
	s10 =	sld [smem:$0x3FB0]  }
0x3d: {  	_ =	shalt  }
0x3e: {  	_ =	shalt  }
0x3f: {  	_ =	shalt  }
0x40: {  	_ =	shalt  }
0x41: {  	_ =	shalt  }
0x42: {  	_ =	shalt  }
0x43: {  	_ =	shalt  }
0x44: {  	_ =	shalt  }
0x45: {  	_ =	shalt  }
0x46: {  	_ =	shalt  }
0x47: {  	_ =	shalt  }
0x48: {  	_ =	shalt  }
0x49: {  	_ =	shalt  }
0x4a: {  	_ =	shalt  }
0x4b: {  	_ =	shalt  }
0x4c: {  	_ =	shalt  }
0x4d: {  	_ =	shalt  }
0x4e: {  	_ =	shalt  }
0x4f: {  	_ =	shalt  }
0x50: {  	_ =	shalt  }
0x51: {  	_ =	shalt  }
0x52: {  	_ =	shalt  }
0x53: {  	_ =	shalt  }
0x54: {  	_ =	shalt  }
0x55: {  	_ =	shalt  }
0x56: {  	_ =	shalt  }
0x57: {  	_ =	shalt  }
0x58: {  	_ =	shalt  }
0x59: {  	_ =	shalt  }
0x5a: {  	_ =	shalt  }
0x5b: {  	_ =	shalt  }
0x5c: {  	_ =	shalt  }
0x5d: {  	_ =	shalt  }
0x5e: {  	_ =	shalt  }
0x5f: {  	_ =	shalt  }
0x60: {  	_ =	shalt  }
0x61: {  	_ =	shalt  }
0x62: {  	_ =	shalt  }
0x63: {  	_ =	shalt  }
0x64: {  	_ =	shalt  }
0x65: {  	_ =	shalt  }
0x66: {  	_ =	shalt  }
0x67: {  	_ =	shalt  }
0x68: {  	_ =	shalt  }
0x69: {  	_ =	shalt  }
0x6a: {  	_ =	shalt  }
0x6b: {  	_ =	shalt  }
0x6c: {  	_ =	shalt  }
0x6d: {  	_ =	shalt  }
0x6e: {  	_ =	shalt  }
0x6f: {  	_ =	shalt  }
0x70: {  	_ =	shalt  }
0x71: {  	_ =	shalt  }
0x72: {  	_ =	shalt  }
0x73: {  	_ =	shalt  }
0x74: {  	_ =	shalt  }
0x75: {  	_ =	shalt  }
0x76: {  	_ =	shalt  }
0x77: {  	_ =	shalt  }
0x78: {  	_ =	shalt  }
0x79: {  	_ =	shalt  }
0x7a: {  	_ =	shalt  }
0x7b: {  	_ =	shalt  }
0x7c: {  	_ =	shalt  }
0x7d: {  	_ =	shalt  }
0x7e: {  	_ =	shalt  }
0x7f: {  	_ =	shalt  }
0x80: {  	_ =	shalt  }
0x81: {  	_ =	shalt  }
0x82: {  	_ =	shalt  }
0x83: {  	_ =	shalt  }
0x84: {  	_ =	shalt  }
0x85: {  	_ =	shalt  }
0x86: {  	_ =	shalt  }
0x87: {  	_ =	shalt  }
.Lfunc_end0:
.L_simem_size_0:
called_computation.2_lowered:
.L_overlay_start_0:
0x88: {  	s2 =	sld [smem:$0x3FD9]  }
0x89: {  	s3 =	sld [smem:$0x3FFE];
	_ =	sdelay $0x1  }
0x8a: {  	s1 =	srdreg.scid  }
0x8b: {  	s0 =	sand.u32 $0x1, s1  }
0x8c: {  	s17 =	sshll.u32 s0, $0xA;
	s2 =	sadd.s32 s3, s2  }
0x8d: {  	s2 =	sadd.s32 s2, s17  }
0x8e: {  	[smem:$0x3FBC] =	sst s2  }
0x8f: {  	_ = 	snop  }
0x90: {  	s2 =	sld [smem:$0x3FD0];
	(tm) =	ssettm $0x1  }
0x91: {  	s18 =	sld [smem:$0x3FFB];
	_ =	sdelay $0x3  }
0x92: {  	_ =	strace s18  }
0x93: {  	s3 =	sld [smem:$0x3FFC];
	_ =	sdelay $0x3  }
0x94: {  	_ =	strace s3  }
0x95: {  	s3 =	sld [smem:$0x3FFD];
	_ =	sdelay $0x3  }
0x96: {  	_ =	strace s3  }
0x97: {  	_ =	strace $0x8FFFFFFF  }
0x98: {  	s19 =	sld [smem:$0x3FDB];
	_ =	sdelay $0x1  }
0x99: {  	s4 =	simm.s32 $_scs_section_size  }
0x9a: {  	s5 =	simm.s32 $_size__tile_overlayer_lowered;
	s6 =	simm.s32 $_tile_overlayer_lowered  }
0x9b: {  	s22 =	simm.s32 $0x1BFF;
	s21 =	sshll.u32 s6, $0x1;
	s3 =	sadd.s32 s4, s19  }
0x9c: {  	s7 =	simm.s32 $0x0;
	s20 =	sshll.u32 s5, $0x1;
	s5 =	sadd.s32 s21, s3  }
0x9d: {  	[timem:s7], [sflag:s22] =	dma.local [hbm:s5], s20  }
0x9e: {  	_ =	swait.ge [sflag:s22], s20  }
0x9f: {  	s4 =	ssub.s32 $0x0, s20;
	[sflag:s22] =	ssyncset.done $0x0  }
0xa0: {  	[sflag:s22] =	ssyncadd.s32 s4;
	_ =	sdelay $0x1  }
0xa1: {  	s23 =	simm.s32 $0x1B8B  }
0xa2: {  	_ =	swait.ge [sflag:s23], $0x1  }
0xa3: {  	[sflag:s23] =	ssyncset.done $0x0  }
0xa4: {  	s25 =	simm.s32 $0x1B8E;
	s24 =	sld [smem:$0x3FFE];
	[sflag:s23] =	ssyncadd.s32 $0xFFFFFFFF  }
0xa5: {  	s26 =	simm.s32 $execute0_lowered;
	[smem:$0x3FD2] =	sst s25  }
0xa6: {  	s5 =	sshll.u32 s26, $0x1;
	_ =	strace $0x8000004C;
	[dreg:$0x1] =	wrdreg $0xFFFFFFFF  }
0xa7: {  	s28 =	simm.s32 $_size_execute0_lowered;
	s3 =	sadd.s32 s3, s5;
	[dreg:$0x0] =	wrdreg $0x0  }
0xa8: {  	s5 =	sshll.u32 s28, $0x1;
	[dreg:$0x2] =	wrdreg s3  }
0xa9: {  	[dreg:$0x3] =	wrdreg s5  }
0xaa: {  	[dreg:$0x4] =	wrdreg $0xC0  }
0xab: {  	_ =	task [dreg:s7], $0x5FFFF  }
0xac: {  	[dreg:$0x1] =	wrdreg $0xFFFFFFFF  }
0xad: {  	[dreg:$0x0] =	wrdreg $0x60  }
0xae: {  	[dreg:$0x2] =	wrdreg s24  }
0xaf: {  	[dreg:$0x3] =	wrdreg s2  }
0xb0: {  	[dreg:$0x4] =	wrdreg $0x0  }
0xb1: {  	[dreg:$0x5] =	wrdreg $0x9  }
0xb2: {  	_ =	task.clear_ibuf [dreg:s7], $0x6FFFF;
	_ =	strace $0x9000004C  }
0xb3: {  	s29 =	simm.s32 $0x9;
	_ =	strace $0x8000004E  }
0xb4: {  	_ =	swait.ge [sflag:s29], $0x1  }
0xb5: {  	[sflag:s29] =	ssyncadd.s32 $0xFFFFFFFF  }
0xb6: {  	_ =	strace $0x9000004E  }
0xb7: {  	_ =	sfence  }
0xb8: {  	s30 =	sld [smem:$0x0];
	_ =	sdelay $0x2  }
0xb9: {  	s31 =	sshll.u32 s1, $0xD;
	s1 =	sshrl.u32 s1, $0x2  }
0xba: {  	s3 =	sand.u32 $0x4000, s31;
	s1 =	sadd.s32 s1, s30  }
0xbb: {  	s0 =	sor.u32 s3, s0;
	s1 =	sshll.u32 s1, $0x11  }
0xbc: {  	s0 =	sor.u32 s1, s0  }
0xbd: {  	s0 =	sadd.s32 $0x8F2B, s0  }
0xbe: {  	[sflag:s0] =	ssyncadd.remote.s32 $0x1  }
0xbf: {  	_ =	sfence.sel $0xFFFF  }
0xc0: {  	[dreg:$0x0] =	wrdreg $0xFFFFFFFF;
	(pc) =	sbr.abs _section_cstart, $3  }
0xc1: {  	[dreg:$0x1] =	wrdreg $0xFFFFFFFF  }
0xc2: {  	_ =	task.clear_ibuf [dreg:s7], $0x2FFFF;
	_ =	strace $0x9FFFFFFF  }
0xc3: {  	(tm) =	ssettm $0x7FFFFFFF  }
tec
execute0_lowered:
.L_overlay_start_1:
0x0: {  	(tag) =	ssettag $0x1  }
0x1: {  	s6 =	rddreg [dreg:$0x0]  }
0x2: {  	s7 =	rddreg [dreg:$0x1]  }
0x3: {  	s0 =	srdreg.scid;
	s2 =	rddreg [dreg:$0x2]  }
0x4: {  	s3 =	simm.s32 $0x0;
	s15 =	simm.s32 $0x80;
	s16 =	simm.s32 $0x19000  }
0x5: {  	s17 =	simm.s32 $0x1;
	s5 =	sand.u32 $0x1, s0;
	s0 =	stileid.u32  }
0x6: {  	s18 =	simm.s32 $0x0;
	[smem:$0x7FF] =	sst s3;
	s9 =	smul.u32 $0x14000, s0  }
0x7: {  	s4 =	sadd.s32 $0x35E00, s6;
	s1 =	sshll.u32 s5, $0x4;
	s10 =	smul.u32 $0x140000, s5  }
0x8: {  	s5 =	ssub.s32 $0x2, s5;
	s28 =	smul.u32 $0x50000, s0;
	s1 =	sor.u32 s0, s1  }
0x9: {  	s31 =	sshll.u32 s0, $0x6;
	s29 =	sshrl.u32 s5, $0x1;
	s8 =	smul.u32 $0x500, s1  }
0xa: {  	s1 =	rddreg [dreg:$0x3];
	_ =	strace $0x8000004D;
	s12 =	sshrl.u32 s9, $0x3  }
0xb: {  	s9 =	sadd.s32 s9, s10;
	s13 =	ssub.s32 s5, s29;
	s30 =	sshrl.u32 s28, $0x2  }
0xc: {  	s9 =	sshrl.u32 s9, $0x3;
	s12 =	sadd.s32 s12, s6;
	s14 =	sadd.s32 s30, s2  }
0xd: {  	s10 =	smax.u32 s13, $0x1;
	s13 =	simm.s32 $0x14000;
	s11 =	sadd.s32 s8, s6  }
0xe: {  	s9 =	sadd.s32 s9, s6;
	s5 =	sadd.s32 $0xDE00, s12;
	s6 =	sor.u32 $0x1C02, s31  }
0xf: {  	s7 =	sadd.s32 s7, s8;
	s12 =	simm.s32 $0x2;
	s8 =	sadd.s32 $0x3E00, s11  }
0x10: {  	s9 =	sadd.s32 $0x5DE00, s9;
	s11 =	sshrl.u32 s14, $0x3;
	s14 =	simm.s32 $0x16800  }
.LBB2_1:
0x11: {  	[spmem:s11], [sflag:s6] =	dma.local [hbm:s5], $0x2800  }
0x12: {  	_ =	swait.ge [sflag:s12], $0x2800  }
0x13: {  	[sflag:s12] =	ssyncset.done $0x0  }
0x14: {  	[sflag:s12] =	ssyncadd.s32 $0xFFFFD800  }
0x15: {  	[tilespmem:s13], [sflag:$0x2] =	stream.linear.gather [hbm4b:s7+s3], $0x2800, $0x38;
	[tilespmem:$0x1D000] =	vst v63  }
0x16: {  	_ =	swait.ge [sflag:s12], $0x2800  }
0x17: {  	[sflag:s12] =	ssyncset.done $0x0  }
0x18: {  	[sflag:s12] =	ssyncadd.s32 $0xFFFFD800  }
0x19: {  	[tilespmem:s14], [sflag:$0x2] =	stream.linear.gather [hbm4b:s8+s3], $0x2800, $0x38;
	[tilespmem:$0x1D000] =	vst v63  }
0x1a: {  	_ =	swait.ge [sflag:s12], $0x2800  }
0x1b: {  	[sflag:s12] =	ssyncset.done $0x0  }
0x1c: {  	[sflag:s12] =	ssyncadd.s32 $0xFFFFD800  }
0x1d: {  	s19 =	simm.s32 $0x14000;
	[bflag:$0x0] =	sbarrier.arrive $0xFFFF  }
0x1e: {  	[tilespmem:s16], [sflag:$0x1] =	stream.indirect.gather [hbm4b:s4+s15], $0x80, s19, s15, $0xb8;
	[tilespmem:$0x1D000] =	vst v63  }
0x1f: {  	_ =	swait.ge [sflag:s17], $0x4000  }
0x20: {  	[sflag:s17] =	ssyncset.done $0x0  }
0x21: {  	s31 =	simm.s32 $0x16800;
	[sflag:s17] =	ssyncadd.s32 $0xFFFFC000  }
0x22: {  	[spmem:s2] =	stream.indirect.scatter.add.f32 [tilespmem:s16], [sflag:$0x2], $0x80, s31, s15, $0xb8;
	[tilespmem:$0x1D000] =	vst v63  }
0x23: {  	_ =	swait.ge [sflag:s12], $0x4000  }
0x24: {  	s20 =	simm.s32 $0x400;
	s19 =	simm.s32 $0x80;
	[sflag:s12] =	ssyncset.done $0x0  }
.LBB2_2:
0x25: {  	s21 =	sadd.s32 $0x14000, s19  }
0x26: {  	[sflag:s12] =	ssyncadd.s32 $0xFFFFC000;
	s22 =	smov.u32 s20;
	s23 =	sadd.s32 $0x200, s20  }
0x27: {  	[tilespmem:s16], [sflag:$0x1] =	stream.indirect.gather [hbm4b:s4+s15], $0x80, s21, s15, $0xb8;
	[tilespmem:$0x1D000] =	vst v63  }
0x28: {  	p0 =	sne.s32 s20, $0x9E00;
	_ =	swait.ge [sflag:s17], $0x4000  }
.Ltmp0:
0x29: {  	[sflag:s17] =	ssyncset.done $0x0;
	(pc) =	sbr.rel @p0 .LBB2_2-.Ltmp0, $4  }
0x2a: {  	s19 =	sadd.s32 $0x16800, s19;
	[sflag:s17] =	ssyncadd.s32 $0xFFFFC000  }
0x2b: {  	[spmem:s2] =	stream.indirect.scatter.add.f32 [tilespmem:s16], [sflag:$0x2], $0x80, s19, s15, $0xb8;
	[tilespmem:$0x1D000] =	vst v63  }
0x2c: {  	_ =	swait.ge [sflag:s12], $0x4000  }
0x2d: {  	s20 =	smov.u32 s23;
	s19 =	sshra.s32 s22, $0x2;
	[sflag:s12] =	ssyncset.done $0x0  }
0x2e: {  	s20 =	sadd.s32 $0x14000, s19;
	[sflag:s12] =	ssyncadd.s32 $0xFFFFC000  }
0x2f: {  	[tilespmem:s16], [sflag:$0x1] =	stream.indirect.gather [hbm4b:s4+s15], $0x80, s20, s15, $0xb8;
	[tilespmem:$0x1D000] =	vst v63  }
0x30: {  	_ =	swait.ge [sflag:s17], $0x4000  }
0x31: {  	[sflag:s17] =	ssyncset.done $0x0  }
0x32: {  	s31 =	sadd.s32 $0x16800, s19;
	[sflag:s17] =	ssyncadd.s32 $0xFFFFC000  }
0x33: {  	[spmem:s2] =	stream.indirect.scatter.add.f32 [tilespmem:s16], [sflag:$0x2], $0x80, s31, s15, $0xb8;
	[tilespmem:$0x1D000] =	vst v63  }
0x34: {  	_ =	swait.ge [sflag:s12], $0x4000  }
0x35: {  	s18 =	sadd.s32 $0x1, s18;
	[sflag:s12] =	ssyncset.done $0x0  }
0x36: {  	p0 =	sne.s32 s18, s10;
	[sflag:s12] =	ssyncadd.s32 $0xFFFFC000  }
.Ltmp1:
0x37: {  	[bflag:$0x0] =	sbarrier.arrive $0xFFFF;
	(pc) =	sbr.rel @p0 .LBB2_1-.Ltmp1, $4  }
0x38: {  	[hbm:s9], [sflag:s6] =	dma.local [spmem:s11], $0x2800  }
0x39: {  	_ =	swait.ge [sflag:s12], $0x2800  }
0x3a: {  	[sflag:s12] =	ssyncset.done $0x0  }
0x3b: {  	[sflag:s12] =	ssyncadd.s32 $0xFFFFD800  }
0x3c: {  	_ =	sfence.sel $0x180000  }
0x3d: {  	[bflag:$0x0] =	sbarrier.arrive $0xFFFF  }
0x3e: {  	p0 =	sne.s32 s0, $0x0;
	_ =	strace $0x9000004D  }
0x3f: {  	s0 =	sadd.s32 @!p0 $0x100000, s1;
	[bflag:$0x2] =	sbarrier.arrive $0xFFFF  }
0x40: {  	[sflag:s0] =	ssyncadd.tile.s32 @!p0 $0x1;
	_ =	shalt  }
.Lfunc_end2:
_tile_overlayer_lowered:
.L_overlay_start_2:
0x41: {  	(tag) =	ssettag $0x2  }
0x42: {  	s0 =	rddreg [dreg:$0x0];
	s2 =	stileid.u32  }
0x43: {  	s1 =	rddreg [dreg:$0x1];
	p0 =	sne.s32 s2, $0x0  }
0x44: {  	s3 =	rddreg [dreg:$0x2];
	[bflag:$0x3] =	sbarrier.arrive $0xFFFF;
	s2 =	simm.s32 @!p0 $0x1C02  }
0x45: {  	[timem:s3], [sflag:s2] =	dma.local @!p0 [hbm:s0], s1  }
0x46: {  	s0 =	simm.s32 @!p0 $0x2  }
0x47: {  	_ =	swait.ge @!p0 [sflag:s0], s1  }
0x48: {  	s1 =	ssub.s32 @!p0 $0x0, s1;
	[sflag:s0] =	ssyncset.done @!p0 $0x0  }
0x49: {  	[sflag:s0] =	ssyncadd.s32 @!p0 s1  }
0x4a: {  	[bflag:$0x3] =	sbarrier.arrive $0xFFFF  }
0x4b: {  	_ =	shalt  }

// kernel: kernel.19.cloned.1.call-start
scs
__scs_entry_jumppad:
0x0: {  	(pc) =	sbr.rel $0x88, $3  }
0x1: {  	(tag) =	ssettag $0x0;
	lr =	simm.s32 $0x1  }
0x2: {  	[smem:$0x3F95] =	sst lr;
	_ =	strace $0xD0000000  }
0x3: {  	_ = 	snop  }
0x4: {  	_ = 	snop  }
0x5: {  	_ = 	snop  }
0x6: {  	_ = 	snop  }
0x7: {  	_ = 	snop  }
__scs_overlays_trampoline_lowered:
0x8: {  	[smem:$0x3FA4] =	sst s0  }
0x9: {  	[smem:$0x3FA5] =	sst s1  }
0xa: {  	[smem:$0x3FA6] =	sst s2  }
0xb: {  	[smem:$0x3FA7] =	sst s3  }
0xc: {  	[smem:$0x3FA8] =	sst s4  }
0xd: {  	[smem:$0x3FA9] =	sst s5  }
0xe: {  	[smem:$0x3FAA] =	sst s6  }
0xf: {  	[smem:$0x3FAB] =	sst s7  }
0x10: {  	[smem:$0x3FAC] =	sst s8  }
0x11: {  	[smem:$0x3FAD] =	sst s9;
	s0 =	simm.s32 @!p0 $0x0  }
0x12: {  	s1 =	sld [smem:$0x3F93];
	s0 =	simm.s32 @p0 $0x1  }
0x13: {  	[smem:$0x3FAE] =	sst s0;
	s0 =	simm.s32 @!p1 $0x0  }
0x14: {  	s2 =	sld [smem:$0x3F92];
	s0 =	simm.s32 @p1 $0x1  }
0x15: {  	[smem:$0x3FAF] =	sst s0;
	s0 =	simm.s32 @!p2 $0x0  }
0x16: {  	s3 =	sld [smem:$0x3FDB];
	s0 =	simm.s32 @p2 $0x1  }
0x17: {  	s4 =	simm.s32 $0x1BF5;
	[smem:$0x3FB1] =	sst s0  }
0x18: {  	s0 =	sld [smem:$0x3F94];
	_ =	swait.ge [sflag:s4], $0x0  }
0x19: {  	s7 =	sld [smem:$0x3F95]  }
0x1a: {  	s8 =	sadd.s32 $0xFFFFE003, lr  }
0x1b: {  	s9 =	sadd.s32 $0xFFFFFEF7, lr;
	s5 =	simm.s32 $0xFFFFFFFF;
	p2 =	slt.u32 s8, $0xFFFFF086  }
0x1c: {  	p1 =	slt.u32 s9, $0xF7A;
	s5 =	simm.s32 @!p2 $0x0  }
0x1d: {  	s5 =	simm.s32 @p1 $0x1;
	p0 =	seq.s32 s7, s2  }
0x1e: {  	s7 =	smul.u32 @!p0 $0xF7A, s2;
	p2 =	seq.s32 @!p0 s5, $0x0  }
0x1f: {  	s9 =	smul.u32 $0xF7A, s1;
	s8 =	simm.s32 @!p0 $0x1BF5;
	p2 =	por !p2, p0  }
0x20: {  	[sflag:s8] =	ssyncset.s32 @!p0 $0xFFFFF086;
	s6 =	sadd.s32 @!p0 s3, s7;
	s7 =	simm.s32 @!p0 $0x108  }
0x21: {  	s3 =	sadd.s32 s3, s9;
	s6 =	sadd.s32 @!p0 $0x88, s6;
	s7 =	simm.s32 @p2 $0x1082  }
0x22: {  	[simem:s7], [sflag:s8] =	dma.local @!p0 [hbm:s6], $0xF7A  }
0x23: {  	s9 =	sor.u32 $0xD0000000, s2;
	s6 =	simm.s32 $0x108;
	_ =	swait.ge @!p0 [sflag:s8], $0x0  }
0x24: {  	s3 =	sadd.s32 $0x88, s3;
	s6 =	simm.s32 @!p1 $0x1082;
	[sflag:s4] =	ssyncset.s32 $0xFFFFF086  }
0x25: {  	[simem:s6], [sflag:s4] =	dma.local [hbm:s3], $0xF7A  }
0x26: {  	[smem:$0x3F95] =	sst s1;
	(tag) =	ssettag s2;
	_ =	strace s9  }
0x27: {  	s1 =	sld [smem:$0x3FA5]  }
0x28: {  	s2 =	sld [smem:$0x3FA6]  }
0x29: {  	s4 =	sld [smem:$0x3FA8]  }
0x2a: {  	p0 =	seq.s32 s5, $0x0;
	s5 =	sld [smem:$0x3FA9]  }
0x2b: {  	s6 =	sld [smem:$0x3FAA]  }
0x2c: {  	s7 =	sld [smem:$0x3FAB]  }
0x2d: {  	s3 =	simm.s32 $0x108;
	s8 =	sld [smem:$0x3FAC]  }
0x2e: {  	s3 =	simm.s32 @!p0 $0x1082;
	s9 =	sld [smem:$0x3FAD]  }
0x2f: {  	lr =	sadd.s32 s0, s3;
	s0 =	sld [smem:$0x3FA4]  }
0x30: {  	s3 =	sld [smem:$0x3FA7]  }
0x31: {  	[smem:$0x3FB0] =	sst s10  }
0x32: {  	s10 =	sld [smem:$0x3FAE];
	_ =	sdelay $0x3  }
0x33: {  	p0 =	seq.s32 s10, $0x1;
	s10 =	sld [smem:$0x3FB0];
	_ =	sdelay $0x3  }
0x34: {  	[smem:$0x3FB0] =	sst s10  }
0x35: {  	s10 =	sld [smem:$0x3FAF];
	_ =	sdelay $0x3  }
0x36: {  	p1 =	seq.s32 s10, $0x1;
	s10 =	sld [smem:$0x3FB0];
	_ =	sdelay $0x3  }
0x37: {  	[smem:$0x3FB0] =	sst s10  }
0x38: {  	s10 =	sld [smem:$0x3FB1]  }
0x39: {  	_ = 	snop;
	(pc) =	sbr.ind lr, $3  }
0x3a: {  	_ = 	snop  }
0x3b: {  	_ = 	snop  }
0x3c: {  	p2 =	seq.s32 s10, $0x1;
	s10 =	sld [smem:$0x3FB0]  }
0x3d: {  	_ =	shalt  }
0x3e: {  	_ =	shalt  }
0x3f: {  	_ =	shalt  }
0x40: {  	_ =	shalt  }
0x41: {  	_ =	shalt  }
0x42: {  	_ =	shalt  }
0x43: {  	_ =	shalt  }
0x44: {  	_ =	shalt  }
0x45: {  	_ =	shalt  }
0x46: {  	_ =	shalt  }
0x47: {  	_ =	shalt  }
0x48: {  	_ =	shalt  }
0x49: {  	_ =	shalt  }
0x4a: {  	_ =	shalt  }
0x4b: {  	_ =	shalt  }
0x4c: {  	_ =	shalt  }
0x4d: {  	_ =	shalt  }
0x4e: {  	_ =	shalt  }
0x4f: {  	_ =	shalt  }
0x50: {  	_ =	shalt  }
0x51: {  	_ =	shalt  }
0x52: {  	_ =	shalt  }
0x53: {  	_ =	shalt  }
0x54: {  	_ =	shalt  }
0x55: {  	_ =	shalt  }
0x56: {  	_ =	shalt  }
0x57: {  	_ =	shalt  }
0x58: {  	_ =	shalt  }
0x59: {  	_ =	shalt  }
0x5a: {  	_ =	shalt  }
0x5b: {  	_ =	shalt  }
0x5c: {  	_ =	shalt  }
0x5d: {  	_ =	shalt  }
0x5e: {  	_ =	shalt  }
0x5f: {  	_ =	shalt  }
0x60: {  	_ =	shalt  }
0x61: {  	_ =	shalt  }
0x62: {  	_ =	shalt  }
0x63: {  	_ =	shalt  }
0x64: {  	_ =	shalt  }
0x65: {  	_ =	shalt  }
0x66: {  	_ =	shalt  }
0x67: {  	_ =	shalt  }
0x68: {  	_ =	shalt  }
0x69: {  	_ =	shalt  }
0x6a: {  	_ =	shalt  }
0x6b: {  	_ =	shalt  }
0x6c: {  	_ =	shalt  }
0x6d: {  	_ =	shalt  }
0x6e: {  	_ =	shalt  }
0x6f: {  	_ =	shalt  }
0x70: {  	_ =	shalt  }
0x71: {  	_ =	shalt  }
0x72: {  	_ =	shalt  }
0x73: {  	_ =	shalt  }
0x74: {  	_ =	shalt  }
0x75: {  	_ =	shalt  }
0x76: {  	_ =	shalt  }
0x77: {  	_ =	shalt  }
0x78: {  	_ =	shalt  }
0x79: {  	_ =	shalt  }
0x7a: {  	_ =	shalt  }
0x7b: {  	_ =	shalt  }
0x7c: {  	_ =	shalt  }
0x7d: {  	_ =	shalt  }
0x7e: {  	_ =	shalt  }
0x7f: {  	_ =	shalt  }
0x80: {  	_ =	shalt  }
0x81: {  	_ =	shalt  }
0x82: {  	_ =	shalt  }
0x83: {  	_ =	shalt  }
0x84: {  	_ =	shalt  }
0x85: {  	_ =	shalt  }
0x86: {  	_ =	shalt  }
0x87: {  	_ =	shalt  }
.Lfunc_end0:
.L_simem_size_0:
called_computation.3_lowered:
.L_overlay_start_0:
0x88: {  	s2 =	sld [smem:$0x3FD9]  }
0x89: {  	s3 =	sld [smem:$0x3FFE];
	_ =	sdelay $0x1  }
0x8a: {  	s1 =	srdreg.scid  }
0x8b: {  	s0 =	sand.u32 $0x1, s1  }
0x8c: {  	s17 =	sshll.u32 s0, $0xA;
	s2 =	sadd.s32 s3, s2  }
0x8d: {  	s2 =	sadd.s32 s2, s17  }
0x8e: {  	[smem:$0x3FBC] =	sst s2  }
0x8f: {  	_ = 	snop  }
0x90: {  	s2 =	sld [smem:$0x3FD0];
	(tm) =	ssettm $0x1  }
0x91: {  	s18 =	sld [smem:$0x3FFB];
	_ =	sdelay $0x3  }
0x92: {  	_ =	strace s18  }
0x93: {  	s3 =	sld [smem:$0x3FFC];
	_ =	sdelay $0x3  }
0x94: {  	_ =	strace s3  }
0x95: {  	s3 =	sld [smem:$0x3FFD];
	_ =	sdelay $0x3  }
0x96: {  	_ =	strace s3  }
0x97: {  	_ =	strace $0x8FFFFFFF  }
0x98: {  	s19 =	sld [smem:$0x3FDB];
	_ =	sdelay $0x1  }
0x99: {  	s4 =	simm.s32 $_scs_section_size  }
0x9a: {  	s5 =	simm.s32 $_size__tile_overlayer_lowered;
	s6 =	simm.s32 $_tile_overlayer_lowered  }
0x9b: {  	s22 =	simm.s32 $0x1BFF;
	s21 =	sshll.u32 s6, $0x1;
	s3 =	sadd.s32 s4, s19  }
0x9c: {  	s7 =	simm.s32 $0x0;
	s20 =	sshll.u32 s5, $0x1;
	s5 =	sadd.s32 s21, s3  }
0x9d: {  	[timem:s7], [sflag:s22] =	dma.local [hbm:s5], s20  }
0x9e: {  	_ =	swait.ge [sflag:s22], s20  }
0x9f: {  	s4 =	ssub.s32 $0x0, s20;
	[sflag:s22] =	ssyncset.done $0x0  }
0xa0: {  	[sflag:s22] =	ssyncadd.s32 s4;
	_ =	sdelay $0x1  }
0xa1: {  	s23 =	simm.s32 $0x1B8B  }
0xa2: {  	_ =	swait.ge [sflag:s23], $0x1  }
0xa3: {  	[sflag:s23] =	ssyncset.done $0x0  }
0xa4: {  	s25 =	simm.s32 $0x1B8E;
	s24 =	sld [smem:$0x3FFE];
	[sflag:s23] =	ssyncadd.s32 $0xFFFFFFFF  }
0xa5: {  	s26 =	simm.s32 $execute0_lowered;
	[smem:$0x3FD2] =	sst s25  }
0xa6: {  	s5 =	sshll.u32 s26, $0x1;
	_ =	strace $0x8000004F;
	[dreg:$0x1] =	wrdreg $0xFFFFFFFF  }
0xa7: {  	s28 =	simm.s32 $_size_execute0_lowered;
	s3 =	sadd.s32 s3, s5;
	[dreg:$0x0] =	wrdreg $0x0  }
0xa8: {  	s5 =	sshll.u32 s28, $0x1;
	[dreg:$0x2] =	wrdreg s3  }
0xa9: {  	[dreg:$0x3] =	wrdreg s5  }
0xaa: {  	[dreg:$0x4] =	wrdreg $0xC0  }
0xab: {  	_ =	task [dreg:s7], $0x5FFFF  }
0xac: {  	[dreg:$0x1] =	wrdreg $0xFFFFFFFF  }
0xad: {  	[dreg:$0x0] =	wrdreg $0x60  }
0xae: {  	[dreg:$0x2] =	wrdreg s24  }
0xaf: {  	[dreg:$0x3] =	wrdreg s2  }
0xb0: {  	[dreg:$0x4] =	wrdreg $0x0  }
0xb1: {  	[dreg:$0x5] =	wrdreg $0x9  }
0xb2: {  	_ =	task.clear_ibuf [dreg:s7], $0x6FFFF;
	_ =	strace $0x9000004F  }
0xb3: {  	s29 =	simm.s32 $0x9;
	_ =	strace $0x80000051  }
0xb4: {  	_ =	swait.ge [sflag:s29], $0x1  }
0xb5: {  	[sflag:s29] =	ssyncadd.s32 $0xFFFFFFFF  }
0xb6: {  	_ =	strace $0x90000051  }
0xb7: {  	_ =	sfence  }
0xb8: {  	s30 =	sld [smem:$0x0];
	_ =	sdelay $0x2  }
0xb9: {  	s31 =	sshll.u32 s1, $0xD;
	s1 =	sshrl.u32 s1, $0x2  }
0xba: {  	s3 =	sand.u32 $0x4000, s31;
	s1 =	sadd.s32 s1, s30  }
0xbb: {  	s0 =	sor.u32 s3, s0;
	s1 =	sshll.u32 s1, $0x11  }
0xbc: {  	s0 =	sor.u32 s1, s0  }
0xbd: {  	s0 =	sadd.s32 $0x8F2B, s0  }
0xbe: {  	[sflag:s0] =	ssyncadd.remote.s32 $0x1  }
0xbf: {  	_ =	sfence.sel $0xFFFF  }
0xc0: {  	[dreg:$0x0] =	wrdreg $0xFFFFFFFF;
	(pc) =	sbr.abs _section_cstart, $3  }
0xc1: {  	[dreg:$0x1] =	wrdreg $0xFFFFFFFF  }
0xc2: {  	_ =	task.clear_ibuf [dreg:s7], $0x2FFFF;
	_ =	strace $0x9FFFFFFF  }
0xc3: {  	(tm) =	ssettm $0x7FFFFFFF  }
tec
execute0_lowered:
.L_overlay_start_1:
0x0: {  	(tag) =	ssettag $0x1  }
0x1: {  	s6 =	rddreg [dreg:$0x0]  }
0x2: {  	s7 =	rddreg [dreg:$0x1]  }
0x3: {  	s0 =	srdreg.scid;
	s2 =	rddreg [dreg:$0x2]  }
0x4: {  	s3 =	simm.s32 $0x0;
	s15 =	simm.s32 $0x80;
	s16 =	simm.s32 $0x19000  }
0x5: {  	s17 =	simm.s32 $0x1;
	s5 =	sand.u32 $0x1, s0;
	s0 =	stileid.u32  }
0x6: {  	s18 =	simm.s32 $0x0;
	[smem:$0x7FF] =	sst s3;
	s9 =	smul.u32 $0x14000, s0  }
0x7: {  	s4 =	sadd.s32 $0x35E00, s6;
	s1 =	sshll.u32 s5, $0x4;
	s10 =	smul.u32 $0x140000, s5  }
0x8: {  	s5 =	ssub.s32 $0x2, s5;
	s28 =	smul.u32 $0x50000, s0;
	s1 =	sor.u32 s0, s1  }
0x9: {  	s31 =	sshll.u32 s0, $0x6;
	s29 =	sshrl.u32 s5, $0x1;
	s8 =	smul.u32 $0x500, s1  }
0xa: {  	s1 =	rddreg [dreg:$0x3];
	_ =	strace $0x80000050;
	s12 =	sshrl.u32 s9, $0x3  }
0xb: {  	s9 =	sadd.s32 s9, s10;
	s13 =	ssub.s32 s5, s29;
	s30 =	sshrl.u32 s28, $0x2  }
0xc: {  	s9 =	sshrl.u32 s9, $0x3;
	s12 =	sadd.s32 s12, s6;
	s14 =	sadd.s32 s30, s2  }
0xd: {  	s10 =	smax.u32 s13, $0x1;
	s13 =	simm.s32 $0x14000;
	s11 =	sadd.s32 s8, s6  }
0xe: {  	s9 =	sadd.s32 s9, s6;
	s5 =	sadd.s32 $0xDE00, s12;
	s6 =	sor.u32 $0x1C02, s31  }
0xf: {  	s7 =	sadd.s32 s7, s8;
	s12 =	simm.s32 $0x2;
	s8 =	sadd.s32 $0x3E00, s11  }
0x10: {  	s9 =	sadd.s32 $0x5DE00, s9;
	s11 =	sshrl.u32 s14, $0x3;
	s14 =	simm.s32 $0x16800  }
.LBB2_1:
0x11: {  	[spmem:s11], [sflag:s6] =	dma.local [hbm:s5], $0x2800  }
0x12: {  	_ =	swait.ge [sflag:s12], $0x2800  }
0x13: {  	[sflag:s12] =	ssyncset.done $0x0  }
0x14: {  	[sflag:s12] =	ssyncadd.s32 $0xFFFFD800  }
0x15: {  	[tilespmem:s13], [sflag:$0x2] =	stream.linear.gather [hbm4b:s7+s3], $0x2800, $0x38;
	[tilespmem:$0x1D000] =	vst v63  }
0x16: {  	_ =	swait.ge [sflag:s12], $0x2800  }
0x17: {  	[sflag:s12] =	ssyncset.done $0x0  }
0x18: {  	[sflag:s12] =	ssyncadd.s32 $0xFFFFD800  }
0x19: {  	[tilespmem:s14], [sflag:$0x2] =	stream.linear.gather [hbm4b:s8+s3], $0x2800, $0x38;
	[tilespmem:$0x1D000] =	vst v63  }
0x1a: {  	_ =	swait.ge [sflag:s12], $0x2800  }
0x1b: {  	[sflag:s12] =	ssyncset.done $0x0  }
0x1c: {  	[sflag:s12] =	ssyncadd.s32 $0xFFFFD800  }
0x1d: {  	s19 =	simm.s32 $0x14000;
	[bflag:$0x0] =	sbarrier.arrive $0xFFFF  }
0x1e: {  	[tilespmem:s16], [sflag:$0x1] =	stream.indirect.gather [hbm4b:s4+s15], $0x80, s19, s15, $0xb8;
	[tilespmem:$0x1D000] =	vst v63  }
0x1f: {  	_ =	swait.ge [sflag:s17], $0x4000  }
0x20: {  	[sflag:s17] =	ssyncset.done $0x0  }
0x21: {  	s31 =	simm.s32 $0x16800;
	[sflag:s17] =	ssyncadd.s32 $0xFFFFC000  }
0x22: {  	[spmem:s2] =	stream.indirect.scatter.add.f32 [tilespmem:s16], [sflag:$0x2], $0x80, s31, s15, $0xb8;
	[tilespmem:$0x1D000] =	vst v63  }
0x23: {  	_ =	swait.ge [sflag:s12], $0x4000  }
0x24: {  	s20 =	simm.s32 $0x400;
	s19 =	simm.s32 $0x80;
	[sflag:s12] =	ssyncset.done $0x0  }
.LBB2_2:
0x25: {  	s21 =	sadd.s32 $0x14000, s19  }
0x26: {  	[sflag:s12] =	ssyncadd.s32 $0xFFFFC000;
	s22 =	smov.u32 s20;
	s23 =	sadd.s32 $0x200, s20  }
0x27: {  	[tilespmem:s16], [sflag:$0x1] =	stream.indirect.gather [hbm4b:s4+s15], $0x80, s21, s15, $0xb8;
	[tilespmem:$0x1D000] =	vst v63  }
0x28: {  	p0 =	sne.s32 s20, $0x9E00;
	_ =	swait.ge [sflag:s17], $0x4000  }
.Ltmp0:
0x29: {  	[sflag:s17] =	ssyncset.done $0x0;
	(pc) =	sbr.rel @p0 .LBB2_2-.Ltmp0, $4  }
0x2a: {  	s19 =	sadd.s32 $0x16800, s19;
	[sflag:s17] =	ssyncadd.s32 $0xFFFFC000  }
0x2b: {  	[spmem:s2] =	stream.indirect.scatter.add.f32 [tilespmem:s16], [sflag:$0x2], $0x80, s19, s15, $0xb8;
	[tilespmem:$0x1D000] =	vst v63  }
0x2c: {  	_ =	swait.ge [sflag:s12], $0x4000  }
0x2d: {  	s20 =	smov.u32 s23;
	s19 =	sshra.s32 s22, $0x2;
	[sflag:s12] =	ssyncset.done $0x0  }
0x2e: {  	s20 =	sadd.s32 $0x14000, s19;
	[sflag:s12] =	ssyncadd.s32 $0xFFFFC000  }
0x2f: {  	[tilespmem:s16], [sflag:$0x1] =	stream.indirect.gather [hbm4b:s4+s15], $0x80, s20, s15, $0xb8;
	[tilespmem:$0x1D000] =	vst v63  }
0x30: {  	_ =	swait.ge [sflag:s17], $0x4000  }
0x31: {  	[sflag:s17] =	ssyncset.done $0x0  }
0x32: {  	s31 =	sadd.s32 $0x16800, s19;
	[sflag:s17] =	ssyncadd.s32 $0xFFFFC000  }
0x33: {  	[spmem:s2] =	stream.indirect.scatter.add.f32 [tilespmem:s16], [sflag:$0x2], $0x80, s31, s15, $0xb8;
	[tilespmem:$0x1D000] =	vst v63  }
0x34: {  	_ =	swait.ge [sflag:s12], $0x4000  }
0x35: {  	s18 =	sadd.s32 $0x1, s18;
	[sflag:s12] =	ssyncset.done $0x0  }
0x36: {  	p0 =	sne.s32 s18, s10;
	[sflag:s12] =	ssyncadd.s32 $0xFFFFC000  }
.Ltmp1:
0x37: {  	[bflag:$0x0] =	sbarrier.arrive $0xFFFF;
	(pc) =	sbr.rel @p0 .LBB2_1-.Ltmp1, $4  }
0x38: {  	[hbm:s9], [sflag:s6] =	dma.local [spmem:s11], $0x2800  }
0x39: {  	_ =	swait.ge [sflag:s12], $0x2800  }
0x3a: {  	[sflag:s12] =	ssyncset.done $0x0  }
0x3b: {  	[sflag:s12] =	ssyncadd.s32 $0xFFFFD800  }
0x3c: {  	_ =	sfence.sel $0x180000  }
0x3d: {  	[bflag:$0x0] =	sbarrier.arrive $0xFFFF  }
0x3e: {  	p0 =	sne.s32 s0, $0x0;
	_ =	strace $0x90000050  }
0x3f: {  	s0 =	sadd.s32 @!p0 $0x100000, s1;
	[bflag:$0x2] =	sbarrier.arrive $0xFFFF  }
0x40: {  	[sflag:s0] =	ssyncadd.tile.s32 @!p0 $0x1;
	_ =	shalt  }
.Lfunc_end2:
_tile_overlayer_lowered:
.L_overlay_start_2:
0x41: {  	(tag) =	ssettag $0x2  }
0x42: {  	s0 =	rddreg [dreg:$0x0];
	s2 =	stileid.u32  }
0x43: {  	s1 =	rddreg [dreg:$0x1];
	p0 =	sne.s32 s2, $0x0  }
0x44: {  	s3 =	rddreg [dreg:$0x2];
	[bflag:$0x3] =	sbarrier.arrive $0xFFFF;
	s2 =	simm.s32 @!p0 $0x1C02  }
0x45: {  	[timem:s3], [sflag:s2] =	dma.local @!p0 [hbm:s0], s1  }
0x46: {  	s0 =	simm.s32 @!p0 $0x2  }
0x47: {  	_ =	swait.ge @!p0 [sflag:s0], s1  }
0x48: {  	s1 =	ssub.s32 @!p0 $0x0, s1;
	[sflag:s0] =	ssyncset.done @!p0 $0x0  }
0x49: {  	[sflag:s0] =	ssyncadd.s32 @!p0 s1  }
0x4a: {  	[bflag:$0x3] =	sbarrier.arrive $0xFFFF  }
0x4b: {  	_ =	shalt  }

</sc_bundles>
